<compile_context>
chip_gen: v7x
topology: tpu7x:2x2x1
jax: 0.10.2.dev20260603
libtpu: 0.0.44.dev20260713+nightly
codegen_flags: <defaults>
</compile_context>

<pallas_src>
import functools

import jax
import jax.numpy as jnp
from jax import lax
from jax.experimental import pallas as pl
from jax.experimental.pallas import tpu as pltpu
from jax.experimental.pallas import tpu_sc as plsc

NUM_UNITS = 64
TABLE_ROWS = 257
SEQ = 2048
B = SEQ * SEQ
NC, NS, L = 2, 16, 16
NW = NC * NS
BLOCK = 512
BLK_PER_ROW = SEQ // BLOCK
PER_W = B // NW
ROWS_PER_W = SEQ // NW
N_BLOCKS = PER_W // BLOCK
GROUPS = BLOCK // L
KS = tuple(range(0, NUM_UNITS, L))


def _make_sc_gather():
    mesh = plsc.VectorSubcoreMesh(core_axis_name="c", subcore_axis_name="s")

    @functools.partial(
        pl.kernel,
        mesh=mesh,
        compiler_params=pltpu.CompilerParams(
            needs_layout_passes=False, use_tc_tiling_on_sc=False
        ),
        out_type=jax.ShapeDtypeStruct((SEQ, SEQ, NUM_UNITS), jnp.float32),
        scratch_types=[
            pltpu.VMEM((TABLE_ROWS * NUM_UNITS,), jnp.float32),
            pltpu.VMEM((BLOCK,), jnp.int32),
            pltpu.VMEM((BLOCK,), jnp.int32),
            pltpu.VMEM((BLOCK, NUM_UNITS), jnp.float32),
            pltpu.VMEM((BLOCK, NUM_UNITS), jnp.float32),
            pltpu.SemaphoreType.DMA,
            pltpu.SemaphoreType.DMA,
            pltpu.SemaphoreType.DMA,
            pltpu.SemaphoreType.DMA,
        ],
    )
    def sc_gather(fm_hbm, table_hbm, out_hbm, table_v, idx0, idx1, rows0,
                  rows1, sem0, sem1, isem0, isem1):
        wid = lax.axis_index("s") * NC + lax.axis_index("c")
        base = wid * PER_W
        row_base = wid * ROWS_PER_W
        pltpu.sync_copy(table_hbm, table_v)

        def idx_src(blk):
            blk = jnp.minimum(blk, N_BLOCKS - 1)
            return fm_hbm.at[pl.ds(base + blk * BLOCK, BLOCK)]

        def expand(idx_v, rows_v):

            def group_body(g, c):
                iv = idx_v[pl.ds(g * L, L)] * NUM_UNITS
                for r in range(0, L, 2):
                    sa = iv[r]
                    sb = iv[r + 1]
                    ba = g * L + r
                    bb = ba + 1
                    va = [table_v[pl.ds(sa + k, L)] for k in KS]
                    vb = [table_v[pl.ds(sb + k, L)] for k in KS]
                    for k, v in zip(KS, va):
                        rows_v[ba, pl.ds(k, L)] = v
                    for k, v in zip(KS, vb):
                        rows_v[bb, pl.ds(k, L)] = v
                return c

            lax.fori_loop(0, GROUPS, group_body, 0)

        def out_slice(blk):
            i = row_base + blk // BLK_PER_ROW
            j0 = (blk % BLK_PER_ROW) * BLOCK
            return out_hbm.at[i, pl.ds(j0, BLOCK)]

        pltpu.async_copy(idx_src(0), idx0, isem0)

        def pair_body(i, carry):
            blk0 = 2 * i
            blk1 = blk0 + 1

            pltpu.async_copy(idx_src(blk1), idx1, isem1)
            pltpu.make_async_copy(idx_src(blk0), idx0, isem0).wait()

            @pl.when(i > 0)
            def _():
                pltpu.make_async_copy(rows0, out_slice(blk0), sem0).wait()

            expand(idx0, rows0)
            pltpu.async_copy(rows0, out_slice(blk0), sem0)
            pltpu.async_copy(idx_src(blk0 + 2), idx0, isem0)
            pltpu.make_async_copy(idx_src(blk1), idx1, isem1).wait()

            @pl.when(i > 0)
            def _():
                pltpu.make_async_copy(rows1, out_slice(blk1), sem1).wait()

            expand(idx1, rows1)
            pltpu.async_copy(rows1, out_slice(blk1), sem1)
            return carry

        lax.fori_loop(0, N_BLOCKS // 2, pair_body, 0)
        pltpu.make_async_copy(idx_src(0), idx0, isem0).wait()
        pltpu.make_async_copy(rows0, out_slice(0), sem0).wait()
        pltpu.make_async_copy(rows1, out_slice(1), sem1).wait()

    return sc_gather


_sc_gather = _make_sc_gather()


def kernel(final_mat, embeddings_table):
    fm = final_mat.reshape(B).astype(jnp.int32)
    return _sc_gather(fm, embeddings_table.reshape(-1))

# --- scband reference (transcript-rebuilt; emitter-appended) ---
"""Pipeline reference for scband-relative-position-14370960573066 (READ-ONLY COPY).

The authoritative reference and input builder live on the scoring server;
editing this copy changes nothing except your own understanding.
"""

import jax, jax.numpy as jnp
import numpy as np

NUM_UNITS = 64
MAX_REL = 128
TABLE_ROWS = MAX_REL * 2 + 1  # 257
SEQ = 2048

def setup_inputs(seed: int = 0) -> dict:
    key = jax.random.key(seed)
    k1, k2 = jax.random.split(key)
    final_mat = jax.random.randint(k1, (SEQ, SEQ), 0, TABLE_ROWS, dtype=jnp.int64 if jax.config.jax_enable_x64 else jnp.int32)
    # xavier uniform init for the embeddings table, shape (257, 64)
    limit = float(np.sqrt(6.0 / (TABLE_ROWS + NUM_UNITS)))
    embeddings_table = jax.random.uniform(k2, (TABLE_ROWS, NUM_UNITS), dtype=jnp.float32, minval=-limit, maxval=limit)
    return {"final_mat": final_mat, "embeddings_table": embeddings_table}

def reference(final_mat, embeddings_table):
    # embeddings = self.embeddings_table[final_mat]
    embeddings = jnp.take(embeddings_table, final_mat, axis=0)
    return embeddings

if __name__ == "__main__":
    import jax
    _d = setup_inputs()
    print(jax.jit(kernel)(*tuple(_d.values())))

</pallas_src>

<mosaic_0001>
#map = affine_map<(d0, d1) -> (0)>
#map1 = affine_map<(d0, d1) -> (0, 0, 0)>
module attributes {stable_mosaic.version = 14 : i64} {
  func.func @sc_gather(%arg0: i32, %arg1: i32, %arg2: memref<4194304xi32, #tpu.memory_space<hbm>>, %arg3: memref<16448xf32, #tpu.memory_space<hbm>>, %arg4: memref<2048x2048x64xf32, #tpu.memory_space<hbm>>, %arg5: memref<16448xf32, #tpu.memory_space<vmem>>, %arg6: memref<512xi32, #tpu.memory_space<vmem>>, %arg7: memref<512xi32, #tpu.memory_space<vmem>>, %arg8: memref<512x64xf32, #tpu.memory_space<vmem>>, %arg9: memref<512x64xf32, #tpu.memory_space<vmem>>, %arg10: memref<!tpu.dma_semaphore, #tpu.memory_space<semaphore_mem>>, %arg11: memref<!tpu.dma_semaphore, #tpu.memory_space<semaphore_mem>>, %arg12: memref<!tpu.dma_semaphore, #tpu.memory_space<semaphore_mem>>, %arg13: memref<!tpu.dma_semaphore, #tpu.memory_space<semaphore_mem>>) attributes {dimension_semantics = [#tpu.dimension_semantics<core_parallel>, #tpu.dimension_semantics<subcore_parallel>], iteration_bounds = array<i64: 2, 16>, scalar_prefetch = 0 : i64, scratch_operands = 9 : i64, tpu.core_type = #tpu.core_type<sc_vector_subcore>, window_params = [{transform_indices = #map}, {transform_indices = #map}, {transform_indices = #map1}]} {
    %mul3A = arith.constant 2 : i32
    %mul3A_0 = arith.muli %arg1, %mul3A : i32
    %add3A = arith.addi %mul3A_0, %arg0 : i32
    %mul3A_1 = arith.constant 131072 : i32
    %mul3A_2 = arith.muli %add3A, %mul3A_1 : i32
    %mul3A_3 = arith.constant 64 : i32
    %mul3A_4 = arith.muli %add3A, %mul3A_3 : i32
    "tpu.region"() ({
      %run_scoped3A = tpu.sem_alloc : memref<!tpu.dma_semaphore, #tpu.memory_space<semaphore_mem>>
      tpu.enqueue_dma source(%arg3 : memref<16448xf32, #tpu.memory_space<hbm>>) target(%arg5 : memref<16448xf32, #tpu.memory_space<vmem>>) target_semaphore(%run_scoped3A : memref<!tpu.dma_semaphore, #tpu.memory_space<semaphore_mem>>)
      tpu.wait_dma2 semaphore(%run_scoped3A : memref<!tpu.dma_semaphore, #tpu.memory_space<semaphore_mem>>) src(%arg3 : memref<16448xf32, #tpu.memory_space<hbm>>) dst(%arg5 : memref<16448xf32, #tpu.memory_space<vmem>>)
      tpu.yield
    }) : () -> ()
    %min3A = arith.constant 0 : i32
    %min3A_5 = arith.constant 255 : i32
    %min3A_6 = arith.minsi %min3A, %min3A_5 : i32
    %mul3A_7 = arith.constant 512 : i32
    %mul3A_8 = arith.muli %min3A_6, %mul3A_7 : i32
    %add3A_9 = arith.addi %mul3A_2, %mul3A_8 : i32
    %dma_start3A = tpu.memref_slice %arg2[%add3A_9] : memref<4194304xi32, #tpu.memory_space<hbm>> -> memref<512xi32, #tpu.memory_space<hbm>>
    %dma_start3A_10 = tpu.memref_slice %arg2[%add3A_9] : memref<4194304xi32, #tpu.memory_space<hbm>> -> memref<512xi32, #tpu.memory_space<hbm>>
    tpu.enqueue_dma source(%dma_start3A_10 : memref<512xi32, #tpu.memory_space<hbm>>) target(%arg6 : memref<512xi32, #tpu.memory_space<vmem>>) target_semaphore(%arg12 : memref<!tpu.dma_semaphore, #tpu.memory_space<semaphore_mem>>)
    %scan3A = arith.constant 0 : i32
    %scan3A_11 = arith.constant 0 : i32
    %scan3A_12 = arith.constant 128 : i32
    %scan3A_13 = arith.addi %scan3A_11, %scan3A_12 : i32
    %scan3A_14 = arith.constant 1 : i32
    scf.for %scan3A_43 = %scan3A_11 to %scan3A_13 step %scan3A_14  : i32 {
      %mul3A_44 = arith.constant 2 : i32
      %mul3A_45 = arith.muli %mul3A_44, %scan3A_43 : i32
      %add3A_46 = arith.constant 1 : i32
      %add3A_47 = arith.addi %mul3A_45, %add3A_46 : i32
      %min3A_48 = arith.constant 255 : i32
      %min3A_49 = arith.minsi %add3A_47, %min3A_48 : i32
      %mul3A_50 = arith.constant 512 : i32
      %mul3A_51 = arith.muli %min3A_49, %mul3A_50 : i32
      %add3A_52 = arith.addi %mul3A_2, %mul3A_51 : i32
      %dma_start3A_53 = tpu.memref_slice %arg2[%add3A_52] : memref<4194304xi32, #tpu.memory_space<hbm>> -> memref<512xi32, #tpu.memory_space<hbm>>
      %dma_start3A_54 = tpu.memref_slice %arg2[%add3A_52] : memref<4194304xi32, #tpu.memory_space<hbm>> -> memref<512xi32, #tpu.memory_space<hbm>>
      tpu.enqueue_dma source(%dma_start3A_54 : memref<512xi32, #tpu.memory_space<hbm>>) target(%arg7 : memref<512xi32, #tpu.memory_space<vmem>>) target_semaphore(%arg13 : memref<!tpu.dma_semaphore, #tpu.memory_space<semaphore_mem>>)
      %min3A_55 = arith.constant 255 : i32
      %min3A_56 = arith.minsi %mul3A_45, %min3A_55 : i32
      %mul3A_57 = arith.constant 512 : i32
      %mul3A_58 = arith.muli %min3A_56, %mul3A_57 : i32
      %add3A_59 = arith.addi %mul3A_2, %mul3A_58 : i32
      %dma_wait3A_60 = tpu.memref_slice %arg2[%add3A_59] : memref<4194304xi32, #tpu.memory_space<hbm>> -> memref<512xi32, #tpu.memory_space<hbm>>
      %dma_wait3A_61 = tpu.memref_slice %arg2[%add3A_59] : memref<4194304xi32, #tpu.memory_space<hbm>> -> memref<512xi32, #tpu.memory_space<hbm>>
      tpu.wait_dma2 semaphore(%arg12 : memref<!tpu.dma_semaphore, #tpu.memory_space<semaphore_mem>>) src(%dma_wait3A_61 : memref<512xi32, #tpu.memory_space<hbm>>) dst(%arg6 : memref<512xi32, #tpu.memory_space<vmem>>)
      %gt3A = arith.constant 0 : i32
      %gt3A_62 = arith.cmpi sgt, %scan3A_43, %gt3A : i32
      %convert_element_type3A = arith.extui %gt3A_62 : i1 to i32
      %cond3A = arith.constant 0 : i32
      %cond3A_63 = arith.cmpi ne, %convert_element_type3A, %cond3A : i32
      scf.if %cond3A_63 {
        %jit3A_185 = arith.constant 4 : i32
        %div3A_186 = arith.divsi %mul3A_45, %jit3A_185 : i32
        %sign3A_187 = arith.constant 0 : i32
        %sign3A_188 = arith.cmpi sgt, %mul3A_45, %sign3A_187 : i32
        %sign3A_189 = arith.extui %sign3A_188 : i1 to i32
        %sign3A_190 = arith.constant 0 : i32
        %sign3A_191 = arith.cmpi slt, %mul3A_45, %sign3A_190 : i32
        %sign3A_192 = arith.extui %sign3A_191 : i1 to i32
        %sign3A_193 = arith.subi %sign3A_189, %sign3A_192 : i32
        %sign3A_194 = arith.constant 0 : i32
        %sign3A_195 = arith.cmpi sgt, %jit3A_185, %sign3A_194 : i32
        %sign3A_196 = arith.extui %sign3A_195 : i1 to i32
        %sign3A_197 = arith.constant 0 : i32
        %sign3A_198 = arith.cmpi slt, %jit3A_185, %sign3A_197 : i32
        %sign3A_199 = arith.extui %sign3A_198 : i1 to i32
        %sign3A_200 = arith.subi %sign3A_196, %sign3A_199 : i32
        %ne3A_201 = arith.cmpi ne, %sign3A_193, %sign3A_200 : i32
        %rem3A_202 = arith.remsi %mul3A_45, %jit3A_185 : i32
        %ne3A_203 = arith.constant 0 : i32
        %ne3A_204 = arith.cmpi ne, %rem3A_202, %ne3A_203 : i32
        %and3A_205 = arith.andi %ne3A_201, %ne3A_204 : i1
        %sub3A_206 = arith.constant 1 : i32
        %sub3A_207 = arith.subi %div3A_186, %sub3A_206 : i32
        %select_n3A_208 = arith.select %and3A_205, %sub3A_207, %div3A_186 : i32
        %add3A_209 = arith.addi %mul3A_4, %select_n3A_208 : i32
        %jit3A_210 = arith.constant 4 : i32
        %eq3A_211 = arith.constant 0 : i32
        %eq3A_212 = arith.cmpi eq, %jit3A_210, %eq3A_211 : i32
        %jit3A_213 = arith.constant 1 : i32
        %select_n3A_214 = arith.select %eq3A_212, %jit3A_213, %jit3A_210 : i32
        %rem3A_215 = arith.remsi %mul3A_45, %select_n3A_214 : i32
        %ne3A_216 = arith.constant 0 : i32
        %ne3A_217 = arith.cmpi ne, %rem3A_215, %ne3A_216 : i32
        %lt3A_218 = arith.constant 0 : i32
        %lt3A_219 = arith.cmpi slt, %rem3A_215, %lt3A_218 : i32
        %lt3A_220 = arith.constant 0 : i32
        %lt3A_221 = arith.cmpi slt, %select_n3A_214, %lt3A_220 : i32
        %ne3A_222 = arith.xori %lt3A_219, %lt3A_221 : i1
        %and3A_223 = arith.andi %ne3A_222, %ne3A_217 : i1
        %add3A_224 = arith.addi %rem3A_215, %select_n3A_214 : i32
        %select_n3A_225 = arith.select %and3A_223, %add3A_224, %rem3A_215 : i32
        %mul3A_226 = arith.constant 512 : i32
        %mul3A_227 = arith.muli %select_n3A_225, %mul3A_226 : i32
        %dma_wait3A_228 = arith.constant 0 : i32
        %dma_wait3A_229 = tpu.memref_slice %arg4[%add3A_209, %mul3A_227, %dma_wait3A_228] : memref<2048x2048x64xf32, #tpu.memory_space<hbm>> -> memref<1x512x64xf32, #tpu.memory_space<hbm>>
        %dma_wait3A_230 = tpu.memref_squeeze %dma_wait3A_229 : memref<1x512x64xf32, #tpu.memory_space<hbm>> -> memref<512x64xf32, #tpu.memory_space<hbm>>
        %dma_wait3A_231 = arith.constant 0 : i32
        %dma_wait3A_232 = tpu.memref_slice %arg4[%add3A_209, %mul3A_227, %dma_wait3A_231] : memref<2048x2048x64xf32, #tpu.memory_space<hbm>> -> memref<1x512x64xf32, #tpu.memory_space<hbm>>
        %dma_wait3A_233 = tpu.memref_squeeze %dma_wait3A_232 : memref<1x512x64xf32, #tpu.memory_space<hbm>> -> memref<512x64xf32, #tpu.memory_space<hbm>>
        tpu.wait_dma2 semaphore(%arg10 : memref<!tpu.dma_semaphore, #tpu.memory_space<semaphore_mem>>) src(%arg8 : memref<512x64xf32, #tpu.memory_space<vmem>>) dst(%dma_wait3A_233 : memref<512x64xf32, #tpu.memory_space<hbm>>)
      } else {
      }
      %scan3A_64 = arith.constant 0 : i32
      %scan3A_65 = arith.constant 0 : i32
      %scan3A_66 = arith.constant 32 : i32
      %scan3A_67 = arith.addi %scan3A_65, %scan3A_66 : i32
      %scan3A_68 = arith.constant 1 : i32
      scf.for %scan3A_185 = %scan3A_65 to %scan3A_67 step %scan3A_68  : i32 {
        %mul3A_186 = arith.constant 16 : i32
        %mul3A_187 = arith.muli %scan3A_185, %mul3A_186 : i32
        %get3A = arith.index_cast %mul3A_187 : i32 to index
        %get3A_188 = tpu.vector_load %arg6[%get3A] {strides = array<i32>} : memref<512xi32, #tpu.memory_space<vmem>>, vector<16xi32>,
        %mul3A_189 = arith.constant 64 : i32
        %mul3A_190 = vector.broadcast %mul3A_189 : i32 to vector<16xi32>
        %mul3A_191 = arith.muli %get3A_188, %mul3A_190 : vector<16xi32>
        %slice3A = vector.extract_strided_slice %mul3A_191 {offsets = [0], sizes = [1], strides = [1]} : vector<16xi32> to vector<1xi32>
        %squeeze3A = vector.extract %slice3A[0] : i32 from vector<1xi32>
        %slice3A_192 = vector.extract_strided_slice %mul3A_191 {offsets = [1], sizes = [1], strides = [1]} : vector<16xi32> to vector<1xi32>
        %squeeze3A_193 = vector.extract %slice3A_192[0] : i32 from vector<1xi32>
        %mul3A_194 = arith.constant 16 : i32
        %mul3A_195 = arith.muli %scan3A_185, %mul3A_194 : i32
        %add3A_196 = arith.constant 0 : i32
        %add3A_197 = arith.addi %mul3A_195, %add3A_196 : i32
        %add3A_198 = arith.constant 1 : i32
        %add3A_199 = arith.addi %add3A_197, %add3A_198 : i32
        %add3A_200 = arith.constant 0 : i32
        %add3A_201 = arith.addi %squeeze3A, %add3A_200 : i32
        %get3A_202 = arith.index_cast %add3A_201 : i32 to index
        %get3A_203 = tpu.vector_load %arg5[%get3A_202] {strides = array<i32>} : memref<16448xf32, #tpu.memory_space<vmem>>, vector<16xf32>,
        %add3A_204 = arith.constant 16 : i32
        %add3A_205 = arith.addi %squeeze3A, %add3A_204 : i32
        %get3A_206 = arith.index_cast %add3A_205 : i32 to index
        %get3A_207 = tpu.vector_load %arg5[%get3A_206] {strides = array<i32>} : memref<16448xf32, #tpu.memory_space<vmem>>, vector<16xf32>,
        %add3A_208 = arith.constant 32 : i32
        %add3A_209 = arith.addi %squeeze3A, %add3A_208 : i32
        %get3A_210 = arith.index_cast %add3A_209 : i32 to index
        %get3A_211 = tpu.vector_load %arg5[%get3A_210] {strides = array<i32>} : memref<16448xf32, #tpu.memory_space<vmem>>, vector<16xf32>,
        %add3A_212 = arith.constant 48 : i32
        %add3A_213 = arith.addi %squeeze3A, %add3A_212 : i32
        %get3A_214 = arith.index_cast %add3A_213 : i32 to index
        %get3A_215 = tpu.vector_load %arg5[%get3A_214] {strides = array<i32>} : memref<16448xf32, #tpu.memory_space<vmem>>, vector<16xf32>,
        %add3A_216 = arith.constant 0 : i32
        %add3A_217 = arith.addi %squeeze3A_193, %add3A_216 : i32
        %get3A_218 = arith.index_cast %add3A_217 : i32 to index
        %get3A_219 = tpu.vector_load %arg5[%get3A_218] {strides = array<i32>} : memref<16448xf32, #tpu.memory_space<vmem>>, vector<16xf32>,
        %add3A_220 = arith.constant 16 : i32
        %add3A_221 = arith.addi %squeeze3A_193, %add3A_220 : i32
        %get3A_222 = arith.index_cast %add3A_221 : i32 to index
        %get3A_223 = tpu.vector_load %arg5[%get3A_222] {strides = array<i32>} : memref<16448xf32, #tpu.memory_space<vmem>>, vector<16xf32>,
        %add3A_224 = arith.constant 32 : i32
        %add3A_225 = arith.addi %squeeze3A_193, %add3A_224 : i32
        %get3A_226 = arith.index_cast %add3A_225 : i32 to index
        %get3A_227 = tpu.vector_load %arg5[%get3A_226] {strides = array<i32>} : memref<16448xf32, #tpu.memory_space<vmem>>, vector<16xf32>,
        %add3A_228 = arith.constant 48 : i32
        %add3A_229 = arith.addi %squeeze3A_193, %add3A_228 : i32
        %get3A_230 = arith.index_cast %add3A_229 : i32 to index
        %get3A_231 = tpu.vector_load %arg5[%get3A_230] {strides = array<i32>} : memref<16448xf32, #tpu.memory_space<vmem>>, vector<16xf32>,
        %swap3A = arith.index_cast %add3A_197 : i32 to index
        %swap3A_232 = arith.constant 0 : index
        %swap3A_233 = tpu.vector_load %arg8[%swap3A, %swap3A_232] {strides = array<i32>} : memref<512x64xf32, #tpu.memory_space<vmem>>, vector<16xf32>,
        tpu.vector_store %arg8[%swap3A, %swap3A_232], %get3A_203 {strides = array<i32>} : memref<512x64xf32, #tpu.memory_space<vmem>>, vector<16xf32>,
        %swap3A_234 = arith.index_cast %add3A_197 : i32 to index
        %swap3A_235 = arith.constant 16 : index
        %swap3A_236 = tpu.vector_load %arg8[%swap3A_234, %swap3A_235] {strides = array<i32>} : memref<512x64xf32, #tpu.memory_space<vmem>>, vector<16xf32>,
        tpu.vector_store %arg8[%swap3A_234, %swap3A_235], %get3A_207 {strides = array<i32>} : memref<512x64xf32, #tpu.memory_space<vmem>>, vector<16xf32>,
        %swap3A_237 = arith.index_cast %add3A_197 : i32 to index
        %swap3A_238 = arith.constant 32 : index
        %swap3A_239 = tpu.vector_load %arg8[%swap3A_237, %swap3A_238] {strides = array<i32>} : memref<512x64xf32, #tpu.memory_space<vmem>>, vector<16xf32>,
        tpu.vector_store %arg8[%swap3A_237, %swap3A_238], %get3A_211 {strides = array<i32>} : memref<512x64xf32, #tpu.memory_space<vmem>>, vector<16xf32>,
        %swap3A_240 = arith.index_cast %add3A_197 : i32 to index
        %swap3A_241 = arith.constant 48 : index
        %swap3A_242 = tpu.vector_load %arg8[%swap3A_240, %swap3A_241] {strides = array<i32>} : memref<512x64xf32, #tpu.memory_space<vmem>>, vector<16xf32>,
        tpu.vector_store %arg8[%swap3A_240, %swap3A_241], %get3A_215 {strides = array<i32>} : memref<512x64xf32, #tpu.memory_space<vmem>>, vector<16xf32>,
        %swap3A_243 = arith.index_cast %add3A_199 : i32 to index
        %swap3A_244 = arith.constant 0 : index
        %swap3A_245 = tpu.vector_load %arg8[%swap3A_243, %swap3A_244] {strides = array<i32>} : memref<512x64xf32, #tpu.memory_space<vmem>>, vector<16xf32>,
        tpu.vector_store %arg8[%swap3A_243, %swap3A_244], %get3A_219 {strides = array<i32>} : memref<512x64xf32, #tpu.memory_space<vmem>>, vector<16xf32>,
        %swap3A_246 = arith.index_cast %add3A_199 : i32 to index
        %swap3A_247 = arith.constant 16 : index
        %swap3A_248 = tpu.vector_load %arg8[%swap3A_246, %swap3A_247] {strides = array<i32>} : memref<512x64xf32, #tpu.memory_space<vmem>>, vector<16xf32>,
        tpu.vector_store %arg8[%swap3A_246, %swap3A_247], %get3A_223 {strides = array<i32>} : memref<512x64xf32, #tpu.memory_space<vmem>>, vector<16xf32>,
        %swap3A_249 = arith.index_cast %add3A_199 : i32 to index
        %swap3A_250 = arith.constant 32 : index
        %swap3A_251 = tpu.vector_load %arg8[%swap3A_249, %swap3A_250] {strides = array<i32>} : memref<512x64xf32, #tpu.memory_space<vmem>>, vector<16xf32>,
        tpu.vector_store %arg8[%swap3A_249, %swap3A_250], %get3A_227 {strides = array<i32>} : memref<512x64xf32, #tpu.memory_space<vmem>>, vector<16xf32>,
        %swap3A_252 = arith.index_cast %add3A_199 : i32 to index
        %swap3A_253 = arith.constant 48 : index
        %swap3A_254 = tpu.vector_load %arg8[%swap3A_252, %swap3A_253] {strides = array<i32>} : memref<512x64xf32, #tpu.memory_space<vmem>>, vector<16xf32>,
        tpu.vector_store %arg8[%swap3A_252, %swap3A_253], %get3A_231 {strides = array<i32>} : memref<512x64xf32, #tpu.memory_space<vmem>>, vector<16xf32>,
        %slice3A_255 = vector.extract_strided_slice %mul3A_191 {offsets = [2], sizes = [1], strides = [1]} : vector<16xi32> to vector<1xi32>
        %squeeze3A_256 = vector.extract %slice3A_255[0] : i32 from vector<1xi32>
        %slice3A_257 = vector.extract_strided_slice %mul3A_191 {offsets = [3], sizes = [1], strides = [1]} : vector<16xi32> to vector<1xi32>
        %squeeze3A_258 = vector.extract %slice3A_257[0] : i32 from vector<1xi32>
        %mul3A_259 = arith.constant 16 : i32
        %mul3A_260 = arith.muli %scan3A_185, %mul3A_259 : i32
        %add3A_261 = arith.constant 2 : i32
        %add3A_262 = arith.addi %mul3A_260, %add3A_261 : i32
        %add3A_263 = arith.constant 1 : i32
        %add3A_264 = arith.addi %add3A_262, %add3A_263 : i32
        %add3A_265 = arith.constant 0 : i32
        %add3A_266 = arith.addi %squeeze3A_256, %add3A_265 : i32
        %get3A_267 = arith.index_cast %add3A_266 : i32 to index
        %get3A_268 = tpu.vector_load %arg5[%get3A_267] {strides = array<i32>} : memref<16448xf32, #tpu.memory_space<vmem>>, vector<16xf32>,
        %add3A_269 = arith.constant 16 : i32
        %add3A_270 = arith.addi %squeeze3A_256, %add3A_269 : i32
        %get3A_271 = arith.index_cast %add3A_270 : i32 to index
        %get3A_272 = tpu.vector_load %arg5[%get3A_271] {strides = array<i32>} : memref<16448xf32, #tpu.memory_space<vmem>>, vector<16xf32>,
        %add3A_273 = arith.constant 32 : i32
        %add3A_274 = arith.addi %squeeze3A_256, %add3A_273 : i32
        %get3A_275 = arith.index_cast %add3A_274 : i32 to index
        %get3A_276 = tpu.vector_load %arg5[%get3A_275] {strides = array<i32>} : memref<16448xf32, #tpu.memory_space<vmem>>, vector<16xf32>,
        %add3A_277 = arith.constant 48 : i32
        %add3A_278 = arith.addi %squeeze3A_256, %add3A_277 : i32
        %get3A_279 = arith.index_cast %add3A_278 : i32 to index
        %get3A_280 = tpu.vector_load %arg5[%get3A_279] {strides = array<i32>} : memref<16448xf32, #tpu.memory_space<vmem>>, vector<16xf32>,
        %add3A_281 = arith.constant 0 : i32
        %add3A_282 = arith.addi %squeeze3A_258, %add3A_281 : i32
        %get3A_283 = arith.index_cast %add3A_282 : i32 to index
        %get3A_284 = tpu.vector_load %arg5[%get3A_283] {strides = array<i32>} : memref<16448xf32, #tpu.memory_space<vmem>>, vector<16xf32>,
        %add3A_285 = arith.constant 16 : i32
        %add3A_286 = arith.addi %squeeze3A_258, %add3A_285 : i32
        %get3A_287 = arith.index_cast %add3A_286 : i32 to index
        %get3A_288 = tpu.vector_load %arg5[%get3A_287] {strides = array<i32>} : memref<16448xf32, #tpu.memory_space<vmem>>, vector<16xf32>,
        %add3A_289 = arith.constant 32 : i32
        %add3A_290 = arith.addi %squeeze3A_258, %add3A_289 : i32
        %get3A_291 = arith.index_cast %add3A_290 : i32 to index
        %get3A_292 = tpu.vector_load %arg5[%get3A_291] {strides = array<i32>} : memref<16448xf32, #tpu.memory_space<vmem>>, vector<16xf32>,
        %add3A_293 = arith.constant 48 : i32
        %add3A_294 = arith.addi %squeeze3A_258, %add3A_293 : i32
        %get3A_295 = arith.index_cast %add3A_294 : i32 to index
        %get3A_296 = tpu.vector_load %arg5[%get3A_295] {strides = array<i32>} : memref<16448xf32, #tpu.memory_space<vmem>>, vector<16xf32>,
        %swap3A_297 = arith.index_cast %add3A_262 : i32 to index
        %swap3A_298 = arith.constant 0 : index
        %swap3A_299 = tpu.vector_load %arg8[%swap3A_297, %swap3A_298] {strides = array<i32>} : memref<512x64xf32, #tpu.memory_space<vmem>>, vector<16xf32>,
        tpu.vector_store %arg8[%swap3A_297, %swap3A_298], %get3A_268 {strides = array<i32>} : memref<512x64xf32, #tpu.memory_space<vmem>>, vector<16xf32>,
        %swap3A_300 = arith.index_cast %add3A_262 : i32 to index
        %swap3A_301 = arith.constant 16 : index
        %swap3A_302 = tpu.vector_load %arg8[%swap3A_300, %swap3A_301] {strides = array<i32>} : memref<512x64xf32, #tpu.memory_space<vmem>>, vector<16xf32>,
        tpu.vector_store %arg8[%swap3A_300, %swap3A_301], %get3A_272 {strides = array<i32>} : memref<512x64xf32, #tpu.memory_space<vmem>>, vector<16xf32>,
        %swap3A_303 = arith.index_cast %add3A_262 : i32 to index
        %swap3A_304 = arith.constant 32 : index
        %swap3A_305 = tpu.vector_load %arg8[%swap3A_303, %swap3A_304] {strides = array<i32>} : memref<512x64xf32, #tpu.memory_space<vmem>>, vector<16xf32>,
        tpu.vector_store %arg8[%swap3A_303, %swap3A_304], %get3A_276 {strides = array<i32>} : memref<512x64xf32, #tpu.memory_space<vmem>>, vector<16xf32>,
        %swap3A_306 = arith.index_cast %add3A_262 : i32 to index
        %swap3A_307 = arith.constant 48 : index
        %swap3A_308 = tpu.vector_load %arg8[%swap3A_306, %swap3A_307] {strides = array<i32>} : memref<512x64xf32, #tpu.memory_space<vmem>>, vector<16xf32>,
        tpu.vector_store %arg8[%swap3A_306, %swap3A_307], %get3A_280 {strides = array<i32>} : memref<512x64xf32, #tpu.memory_space<vmem>>, vector<16xf32>,
        %swap3A_309 = arith.index_cast %add3A_264 : i32 to index
        %swap3A_310 = arith.constant 0 : index
        %swap3A_311 = tpu.vector_load %arg8[%swap3A_309, %swap3A_310] {strides = array<i32>} : memref<512x64xf32, #tpu.memory_space<vmem>>, vector<16xf32>,
        tpu.vector_store %arg8[%swap3A_309, %swap3A_310], %get3A_284 {strides = array<i32>} : memref<512x64xf32, #tpu.memory_space<vmem>>, vector<16xf32>,
        %swap3A_312 = arith.index_cast %add3A_264 : i32 to index
        %swap3A_313 = arith.constant 16 : index
        %swap3A_314 = tpu.vector_load %arg8[%swap3A_312, %swap3A_313] {strides = array<i32>} : memref<512x64xf32, #tpu.memory_space<vmem>>, vector<16xf32>,
        tpu.vector_store %arg8[%swap3A_312, %swap3A_313], %get3A_288 {strides = array<i32>} : memref<512x64xf32, #tpu.memory_space<vmem>>, vector<16xf32>,
        %swap3A_315 = arith.index_cast %add3A_264 : i32 to index
        %swap3A_316 = arith.constant 32 : index
        %swap3A_317 = tpu.vector_load %arg8[%swap3A_315, %swap3A_316] {strides = array<i32>} : memref<512x64xf32, #tpu.memory_space<vmem>>, vector<16xf32>,
        tpu.vector_store %arg8[%swap3A_315, %swap3A_316], %get3A_292 {strides = array<i32>} : memref<512x64xf32, #tpu.memory_space<vmem>>, vector<16xf32>,
        %swap3A_318 = arith.index_cast %add3A_264 : i32 to index
        %swap3A_319 = arith.constant 48 : index
        %swap3A_320 = tpu.vector_load %arg8[%swap3A_318, %swap3A_319] {strides = array<i32>} : memref<512x64xf32, #tpu.memory_space<vmem>>, vector<16xf32>,
        tpu.vector_store %arg8[%swap3A_318, %swap3A_319], %get3A_296 {strides = array<i32>} : memref<512x64xf32, #tpu.memory_space<vmem>>, vector<16xf32>,
        %slice3A_321 = vector.extract_strided_slice %mul3A_191 {offsets = [4], sizes = [1], strides = [1]} : vector<16xi32> to vector<1xi32>
        %squeeze3A_322 = vector.extract %slice3A_321[0] : i32 from vector<1xi32>
        %slice3A_323 = vector.extract_strided_slice %mul3A_191 {offsets = [5], sizes = [1], strides = [1]} : vector<16xi32> to vector<1xi32>
        %squeeze3A_324 = vector.extract %slice3A_323[0] : i32 from vector<1xi32>
        %mul3A_325 = arith.constant 16 : i32
        %mul3A_326 = arith.muli %scan3A_185, %mul3A_325 : i32
        %add3A_327 = arith.constant 4 : i32
        %add3A_328 = arith.addi %mul3A_326, %add3A_327 : i32
        %add3A_329 = arith.constant 1 : i32
        %add3A_330 = arith.addi %add3A_328, %add3A_329 : i32
        %add3A_331 = arith.constant 0 : i32
        %add3A_332 = arith.addi %squeeze3A_322, %add3A_331 : i32
        %get3A_333 = arith.index_cast %add3A_332 : i32 to index
        %get3A_334 = tpu.vector_load %arg5[%get3A_333] {strides = array<i32>} : memref<16448xf32, #tpu.memory_space<vmem>>, vector<16xf32>,
        %add3A_335 = arith.constant 16 : i32
        %add3A_336 = arith.addi %squeeze3A_322, %add3A_335 : i32
        %get3A_337 = arith.index_cast %add3A_336 : i32 to index
        %get3A_338 = tpu.vector_load %arg5[%get3A_337] {strides = array<i32>} : memref<16448xf32, #tpu.memory_space<vmem>>, vector<16xf32>,
        %add3A_339 = arith.constant 32 : i32
        %add3A_340 = arith.addi %squeeze3A_322, %add3A_339 : i32
        %get3A_341 = arith.index_cast %add3A_340 : i32 to index
        %get3A_342 = tpu.vector_load %arg5[%get3A_341] {strides = array<i32>} : memref<16448xf32, #tpu.memory_space<vmem>>, vector<16xf32>,
        %add3A_343 = arith.constant 48 : i32
        %add3A_344 = arith.addi %squeeze3A_322, %add3A_343 : i32
        %get3A_345 = arith.index_cast %add3A_344 : i32 to index
        %get3A_346 = tpu.vector_load %arg5[%get3A_345] {strides = array<i32>} : memref<16448xf32, #tpu.memory_space<vmem>>, vector<16xf32>,
        %add3A_347 = arith.constant 0 : i32
        %add3A_348 = arith.addi %squeeze3A_324, %add3A_347 : i32
        %get3A_349 = arith.index_cast %add3A_348 : i32 to index
        %get3A_350 = tpu.vector_load %arg5[%get3A_349] {strides = array<i32>} : memref<16448xf32, #tpu.memory_space<vmem>>, vector<16xf32>,
        %add3A_351 = arith.constant 16 : i32
        %add3A_352 = arith.addi %squeeze3A_324, %add3A_351 : i32
        %get3A_353 = arith.index_cast %add3A_352 : i32 to index
        %get3A_354 = tpu.vector_load %arg5[%get3A_353] {strides = array<i32>} : memref<16448xf32, #tpu.memory_space<vmem>>, vector<16xf32>,
        %add3A_355 = arith.constant 32 : i32
        %add3A_356 = arith.addi %squeeze3A_324, %add3A_355 : i32
        %get3A_357 = arith.index_cast %add3A_356 : i32 to index
        %get3A_358 = tpu.vector_load %arg5[%get3A_357] {strides = array<i32>} : memref<16448xf32, #tpu.memory_space<vmem>>, vector<16xf32>,
        %add3A_359 = arith.constant 48 : i32
        %add3A_360 = arith.addi %squeeze3A_324, %add3A_359 : i32
        %get3A_361 = arith.index_cast %add3A_360 : i32 to index
        %get3A_362 = tpu.vector_load %arg5[%get3A_361] {strides = array<i32>} : memref<16448xf32, #tpu.memory_space<vmem>>, vector<16xf32>,
        %swap3A_363 = arith.index_cast %add3A_328 : i32 to index
        %swap3A_364 = arith.constant 0 : index
        %swap3A_365 = tpu.vector_load %arg8[%swap3A_363, %swap3A_364] {strides = array<i32>} : memref<512x64xf32, #tpu.memory_space<vmem>>, vector<16xf32>,
        tpu.vector_store %arg8[%swap3A_363, %swap3A_364], %get3A_334 {strides = array<i32>} : memref<512x64xf32, #tpu.memory_space<vmem>>, vector<16xf32>,
        %swap3A_366 = arith.index_cast %add3A_328 : i32 to index
        %swap3A_367 = arith.constant 16 : index
        %swap3A_368 = tpu.vector_load %arg8[%swap3A_366, %swap3A_367] {strides = array<i32>} : memref<512x64xf32, #tpu.memory_space<vmem>>, vector<16xf32>,
        tpu.vector_store %arg8[%swap3A_366, %swap3A_367], %get3A_338 {strides = array<i32>} : memref<512x64xf32, #tpu.memory_space<vmem>>, vector<16xf32>,
        %swap3A_369 = arith.index_cast %add3A_328 : i32 to index
        %swap3A_370 = arith.constant 32 : index
        %swap3A_371 = tpu.vector_load %arg8[%swap3A_369, %swap3A_370] {strides = array<i32>} : memref<512x64xf32, #tpu.memory_space<vmem>>, vector<16xf32>,
        tpu.vector_store %arg8[%swap3A_369, %swap3A_370], %get3A_342 {strides = array<i32>} : memref<512x64xf32, #tpu.memory_space<vmem>>, vector<16xf32>,
        %swap3A_372 = arith.index_cast %add3A_328 : i32 to index
        %swap3A_373 = arith.constant 48 : index
        %swap3A_374 = tpu.vector_load %arg8[%swap3A_372, %swap3A_373] {strides = array<i32>} : memref<512x64xf32, #tpu.memory_space<vmem>>, vector<16xf32>,
        tpu.vector_store %arg8[%swap3A_372, %swap3A_373], %get3A_346 {strides = array<i32>} : memref<512x64xf32, #tpu.memory_space<vmem>>, vector<16xf32>,
        %swap3A_375 = arith.index_cast %add3A_330 : i32 to index
        %swap3A_376 = arith.constant 0 : index
        %swap3A_377 = tpu.vector_load %arg8[%swap3A_375, %swap3A_376] {strides = array<i32>} : memref<512x64xf32, #tpu.memory_space<vmem>>, vector<16xf32>,
        tpu.vector_store %arg8[%swap3A_375, %swap3A_376], %get3A_350 {strides = array<i32>} : memref<512x64xf32, #tpu.memory_space<vmem>>, vector<16xf32>,
        %swap3A_378 = arith.index_cast %add3A_330 : i32 to index
        %swap3A_379 = arith.constant 16 : index
        %swap3A_380 = tpu.vector_load %arg8[%swap3A_378, %swap3A_379] {strides = array<i32>} : memref<512x64xf32, #tpu.memory_space<vmem>>, vector<16xf32>,
        tpu.vector_store %arg8[%swap3A_378, %swap3A_379], %get3A_354 {strides = array<i32>} : memref<512x64xf32, #tpu.memory_space<vmem>>, vector<16xf32>,
        %swap3A_381 = arith.index_cast %add3A_330 : i32 to index
        %swap3A_382 = arith.constant 32 : index
        %swap3A_383 = tpu.vector_load %arg8[%swap3A_381, %swap3A_382] {strides = array<i32>} : memref<512x64xf32, #tpu.memory_space<vmem>>, vector<16xf32>,
        tpu.vector_store %arg8[%swap3A_381, %swap3A_382], %get3A_358 {strides = array<i32>} : memref<512x64xf32, #tpu.memory_space<vmem>>, vector<16xf32>,
        %swap3A_384 = arith.index_cast %add3A_330 : i32 to index
        %swap3A_385 = arith.constant 48 : index
        %swap3A_386 = tpu.vector_load %arg8[%swap3A_384, %swap3A_385] {strides = array<i32>} : memref<512x64xf32, #tpu.memory_space<vmem>>, vector<16xf32>,
        tpu.vector_store %arg8[%swap3A_384, %swap3A_385], %get3A_362 {strides = array<i32>} : memref<512x64xf32, #tpu.memory_space<vmem>>, vector<16xf32>,
        %slice3A_387 = vector.extract_strided_slice %mul3A_191 {offsets = [6], sizes = [1], strides = [1]} : vector<16xi32> to vector<1xi32>
        %squeeze3A_388 = vector.extract %slice3A_387[0] : i32 from vector<1xi32>
        %slice3A_389 = vector.extract_strided_slice %mul3A_191 {offsets = [7], sizes = [1], strides = [1]} : vector<16xi32> to vector<1xi32>
        %squeeze3A_390 = vector.extract %slice3A_389[0] : i32 from vector<1xi32>
        %mul3A_391 = arith.constant 16 : i32
        %mul3A_392 = arith.muli %scan3A_185, %mul3A_391 : i32
        %add3A_393 = arith.constant 6 : i32
        %add3A_394 = arith.addi %mul3A_392, %add3A_393 : i32
        %add3A_395 = arith.constant 1 : i32
        %add3A_396 = arith.addi %add3A_394, %add3A_395 : i32
        %add3A_397 = arith.constant 0 : i32
        %add3A_398 = arith.addi %squeeze3A_388, %add3A_397 : i32
        %get3A_399 = arith.index_cast %add3A_398 : i32 to index
        %get3A_400 = tpu.vector_load %arg5[%get3A_399] {strides = array<i32>} : memref<16448xf32, #tpu.memory_space<vmem>>, vector<16xf32>,
        %add3A_401 = arith.constant 16 : i32
        %add3A_402 = arith.addi %squeeze3A_388, %add3A_401 : i32
        %get3A_403 = arith.index_cast %add3A_402 : i32 to index
        %get3A_404 = tpu.vector_load %arg5[%get3A_403] {strides = array<i32>} : memref<16448xf32, #tpu.memory_space<vmem>>, vector<16xf32>,
        %add3A_405 = arith.constant 32 : i32
        %add3A_406 = arith.addi %squeeze3A_388, %add3A_405 : i32
        %get3A_407 = arith.index_cast %add3A_406 : i32 to index
        %get3A_408 = tpu.vector_load %arg5[%get3A_407] {strides = array<i32>} : memref<16448xf32, #tpu.memory_space<vmem>>, vector<16xf32>,
        %add3A_409 = arith.constant 48 : i32
        %add3A_410 = arith.addi %squeeze3A_388, %add3A_409 : i32
        %get3A_411 = arith.index_cast %add3A_410 : i32 to index
        %get3A_412 = tpu.vector_load %arg5[%get3A_411] {strides = array<i32>} : memref<16448xf32, #tpu.memory_space<vmem>>, vector<16xf32>,
        %add3A_413 = arith.constant 0 : i32
        %add3A_414 = arith.addi %squeeze3A_390, %add3A_413 : i32
        %get3A_415 = arith.index_cast %add3A_414 : i32 to index
        %get3A_416 = tpu.vector_load %arg5[%get3A_415] {strides = array<i32>} : memref<16448xf32, #tpu.memory_space<vmem>>, vector<16xf32>,
        %add3A_417 = arith.constant 16 : i32
        %add3A_418 = arith.addi %squeeze3A_390, %add3A_417 : i32
        %get3A_419 = arith.index_cast %add3A_418 : i32 to index
        %get3A_420 = tpu.vector_load %arg5[%get3A_419] {strides = array<i32>} : memref<16448xf32, #tpu.memory_space<vmem>>, vector<16xf32>,
        %add3A_421 = arith.constant 32 : i32
        %add3A_422 = arith.addi %squeeze3A_390, %add3A_421 : i32
        %get3A_423 = arith.index_cast %add3A_422 : i32 to index
        %get3A_424 = tpu.vector_load %arg5[%get3A_423] {strides = array<i32>} : memref<16448xf32, #tpu.memory_space<vmem>>, vector<16xf32>,
        %add3A_425 = arith.constant 48 : i32
        %add3A_426 = arith.addi %squeeze3A_390, %add3A_425 : i32
        %get3A_427 = arith.index_cast %add3A_426 : i32 to index
        %get3A_428 = tpu.vector_load %arg5[%get3A_427] {strides = array<i32>} : memref<16448xf32, #tpu.memory_space<vmem>>, vector<16xf32>,
        %swap3A_429 = arith.index_cast %add3A_394 : i32 to index
        %swap3A_430 = arith.constant 0 : index
        %swap3A_431 = tpu.vector_load %arg8[%swap3A_429, %swap3A_430] {strides = array<i32>} : memref<512x64xf32, #tpu.memory_space<vmem>>, vector<16xf32>,
        tpu.vector_store %arg8[%swap3A_429, %swap3A_430], %get3A_400 {strides = array<i32>} : memref<512x64xf32, #tpu.memory_space<vmem>>, vector<16xf32>,
        %swap3A_432 = arith.index_cast %add3A_394 : i32 to index
        %swap3A_433 = arith.constant 16 : index
        %swap3A_434 = tpu.vector_load %arg8[%swap3A_432, %swap3A_433] {strides = array<i32>} : memref<512x64xf32, #tpu.memory_space<vmem>>, vector<16xf32>,
        tpu.vector_store %arg8[%swap3A_432, %swap3A_433], %get3A_404 {strides = array<i32>} : memref<512x64xf32, #tpu.memory_space<vmem>>, vector<16xf32>,
        %swap3A_435 = arith.index_cast %add3A_394 : i32 to index
        %swap3A_436 = arith.constant 32 : index
        %swap3A_437 = tpu.vector_load %arg8[%swap3A_435, %swap3A_436] {strides = array<i32>} : memref<512x64xf32, #tpu.memory_space<vmem>>, vector<16xf32>,
        tpu.vector_store %arg8[%swap3A_435, %swap3A_436], %get3A_408 {strides = array<i32>} : memref<512x64xf32, #tpu.memory_space<vmem>>, vector<16xf32>,
        %swap3A_438 = arith.index_cast %add3A_394 : i32 to index
        %swap3A_439 = arith.constant 48 : index
        %swap3A_440 = tpu.vector_load %arg8[%swap3A_438, %swap3A_439] {strides = array<i32>} : memref<512x64xf32, #tpu.memory_space<vmem>>, vector<16xf32>,
        tpu.vector_store %arg8[%swap3A_438, %swap3A_439], %get3A_412 {strides = array<i32>} : memref<512x64xf32, #tpu.memory_space<vmem>>, vector<16xf32>,
        %swap3A_441 = arith.index_cast %add3A_396 : i32 to index
        %swap3A_442 = arith.constant 0 : index
        %swap3A_443 = tpu.vector_load %arg8[%swap3A_441, %swap3A_442] {strides = array<i32>} : memref<512x64xf32, #tpu.memory_space<vmem>>, vector<16xf32>,
        tpu.vector_store %arg8[%swap3A_441, %swap3A_442], %get3A_416 {strides = array<i32>} : memref<512x64xf32, #tpu.memory_space<vmem>>, vector<16xf32>,
        %swap3A_444 = arith.index_cast %add3A_396 : i32 to index
        %swap3A_445 = arith.constant 16 : index
        %swap3A_446 = tpu.vector_load %arg8[%swap3A_444, %swap3A_445] {strides = array<i32>} : memref<512x64xf32, #tpu.memory_space<vmem>>, vector<16xf32>,
        tpu.vector_store %arg8[%swap3A_444, %swap3A_445], %get3A_420 {strides = array<i32>} : memref<512x64xf32, #tpu.memory_space<vmem>>, vector<16xf32>,
        %swap3A_447 = arith.index_cast %add3A_396 : i32 to index
        %swap3A_448 = arith.constant 32 : index
        %swap3A_449 = tpu.vector_load %arg8[%swap3A_447, %swap3A_448] {strides = array<i32>} : memref<512x64xf32, #tpu.memory_space<vmem>>, vector<16xf32>,
        tpu.vector_store %arg8[%swap3A_447, %swap3A_448], %get3A_424 {strides = array<i32>} : memref<512x64xf32, #tpu.memory_space<vmem>>, vector<16xf32>,
        %swap3A_450 = arith.index_cast %add3A_396 : i32 to index
        %swap3A_451 = arith.constant 48 : index
        %swap3A_452 = tpu.vector_load %arg8[%swap3A_450, %swap3A_451] {strides = array<i32>} : memref<512x64xf32, #tpu.memory_space<vmem>>, vector<16xf32>,
        tpu.vector_store %arg8[%swap3A_450, %swap3A_451], %get3A_428 {strides = array<i32>} : memref<512x64xf32, #tpu.memory_space<vmem>>, vector<16xf32>,
        %slice3A_453 = vector.extract_strided_slice %mul3A_191 {offsets = [8], sizes = [1], strides = [1]} : vector<16xi32> to vector<1xi32>
        %squeeze3A_454 = vector.extract %slice3A_453[0] : i32 from vector<1xi32>
        %slice3A_455 = vector.extract_strided_slice %mul3A_191 {offsets = [9], sizes = [1], strides = [1]} : vector<16xi32> to vector<1xi32>
        %squeeze3A_456 = vector.extract %slice3A_455[0] : i32 from vector<1xi32>
        %mul3A_457 = arith.constant 16 : i32
        %mul3A_458 = arith.muli %scan3A_185, %mul3A_457 : i32
        %add3A_459 = arith.constant 8 : i32
        %add3A_460 = arith.addi %mul3A_458, %add3A_459 : i32
        %add3A_461 = arith.constant 1 : i32
        %add3A_462 = arith.addi %add3A_460, %add3A_461 : i32
        %add3A_463 = arith.constant 0 : i32
        %add3A_464 = arith.addi %squeeze3A_454, %add3A_463 : i32
        %get3A_465 = arith.index_cast %add3A_464 : i32 to index
        %get3A_466 = tpu.vector_load %arg5[%get3A_465] {strides = array<i32>} : memref<16448xf32, #tpu.memory_space<vmem>>, vector<16xf32>,
        %add3A_467 = arith.constant 16 : i32
        %add3A_468 = arith.addi %squeeze3A_454, %add3A_467 : i32
        %get3A_469 = arith.index_cast %add3A_468 : i32 to index
        %get3A_470 = tpu.vector_load %arg5[%get3A_469] {strides = array<i32>} : memref<16448xf32, #tpu.memory_space<vmem>>, vector<16xf32>,
        %add3A_471 = arith.constant 32 : i32
        %add3A_472 = arith.addi %squeeze3A_454, %add3A_471 : i32
        %get3A_473 = arith.index_cast %add3A_472 : i32 to index
        %get3A_474 = tpu.vector_load %arg5[%get3A_473] {strides = array<i32>} : memref<16448xf32, #tpu.memory_space<vmem>>, vector<16xf32>,
        %add3A_475 = arith.constant 48 : i32
        %add3A_476 = arith.addi %squeeze3A_454, %add3A_475 : i32
        %get3A_477 = arith.index_cast %add3A_476 : i32 to index
        %get3A_478 = tpu.vector_load %arg5[%get3A_477] {strides = array<i32>} : memref<16448xf32, #tpu.memory_space<vmem>>, vector<16xf32>,
        %add3A_479 = arith.constant 0 : i32
        %add3A_480 = arith.addi %squeeze3A_456, %add3A_479 : i32
        %get3A_481 = arith.index_cast %add3A_480 : i32 to index
        %get3A_482 = tpu.vector_load %arg5[%get3A_481] {strides = array<i32>} : memref<16448xf32, #tpu.memory_space<vmem>>, vector<16xf32>,
        %add3A_483 = arith.constant 16 : i32
        %add3A_484 = arith.addi %squeeze3A_456, %add3A_483 : i32
        %get3A_485 = arith.index_cast %add3A_484 : i32 to index
        %get3A_486 = tpu.vector_load %arg5[%get3A_485] {strides = array<i32>} : memref<16448xf32, #tpu.memory_space<vmem>>, vector<16xf32>,
        %add3A_487 = arith.constant 32 : i32
        %add3A_488 = arith.addi %squeeze3A_456, %add3A_487 : i32
        %get3A_489 = arith.index_cast %add3A_488 : i32 to index
        %get3A_490 = tpu.vector_load %arg5[%get3A_489] {strides = array<i32>} : memref<16448xf32, #tpu.memory_space<vmem>>, vector<16xf32>,
        %add3A_491 = arith.constant 48 : i32
        %add3A_492 = arith.addi %squeeze3A_456, %add3A_491 : i32
        %get3A_493 = arith.index_cast %add3A_492 : i32 to index
        %get3A_494 = tpu.vector_load %arg5[%get3A_493] {strides = array<i32>} : memref<16448xf32, #tpu.memory_space<vmem>>, vector<16xf32>,
        %swap3A_495 = arith.index_cast %add3A_460 : i32 to index
        %swap3A_496 = arith.constant 0 : index
        %swap3A_497 = tpu.vector_load %arg8[%swap3A_495, %swap3A_496] {strides = array<i32>} : memref<512x64xf32, #tpu.memory_space<vmem>>, vector<16xf32>,
        tpu.vector_store %arg8[%swap3A_495, %swap3A_496], %get3A_466 {strides = array<i32>} : memref<512x64xf32, #tpu.memory_space<vmem>>, vector<16xf32>,
        %swap3A_498 = arith.index_cast %add3A_460 : i32 to index
        %swap3A_499 = arith.constant 16 : index
        %swap3A_500 = tpu.vector_load %arg8[%swap3A_498, %swap3A_499] {strides = array<i32>} : memref<512x64xf32, #tpu.memory_space<vmem>>, vector<16xf32>,
        tpu.vector_store %arg8[%swap3A_498, %swap3A_499], %get3A_470 {strides = array<i32>} : memref<512x64xf32, #tpu.memory_space<vmem>>, vector<16xf32>,
        %swap3A_501 = arith.index_cast %add3A_460 : i32 to index
        %swap3A_502 = arith.constant 32 : index
        %swap3A_503 = tpu.vector_load %arg8[%swap3A_501, %swap3A_502] {strides = array<i32>} : memref<512x64xf32, #tpu.memory_space<vmem>>, vector<16xf32>,
        tpu.vector_store %arg8[%swap3A_501, %swap3A_502], %get3A_474 {strides = array<i32>} : memref<512x64xf32, #tpu.memory_space<vmem>>, vector<16xf32>,
        %swap3A_504 = arith.index_cast %add3A_460 : i32 to index
        %swap3A_505 = arith.constant 48 : index
        %swap3A_506 = tpu.vector_load %arg8[%swap3A_504, %swap3A_505] {strides = array<i32>} : memref<512x64xf32, #tpu.memory_space<vmem>>, vector<16xf32>,
        tpu.vector_store %arg8[%swap3A_504, %swap3A_505], %get3A_478 {strides = array<i32>} : memref<512x64xf32, #tpu.memory_space<vmem>>, vector<16xf32>,
        %swap3A_507 = arith.index_cast %add3A_462 : i32 to index
        %swap3A_508 = arith.constant 0 : index
        %swap3A_509 = tpu.vector_load %arg8[%swap3A_507, %swap3A_508] {strides = array<i32>} : memref<512x64xf32, #tpu.memory_space<vmem>>, vector<16xf32>,
        tpu.vector_store %arg8[%swap3A_507, %swap3A_508], %get3A_482 {strides = array<i32>} : memref<512x64xf32, #tpu.memory_space<vmem>>, vector<16xf32>,
        %swap3A_510 = arith.index_cast %add3A_462 : i32 to index
        %swap3A_511 = arith.constant 16 : index
        %swap3A_512 = tpu.vector_load %arg8[%swap3A_510, %swap3A_511] {strides = array<i32>} : memref<512x64xf32, #tpu.memory_space<vmem>>, vector<16xf32>,
        tpu.vector_store %arg8[%swap3A_510, %swap3A_511], %get3A_486 {strides = array<i32>} : memref<512x64xf32, #tpu.memory_space<vmem>>, vector<16xf32>,
        %swap3A_513 = arith.index_cast %add3A_462 : i32 to index
        %swap3A_514 = arith.constant 32 : index
        %swap3A_515 = tpu.vector_load %arg8[%swap3A_513, %swap3A_514] {strides = array<i32>} : memref<512x64xf32, #tpu.memory_space<vmem>>, vector<16xf32>,
        tpu.vector_store %arg8[%swap3A_513, %swap3A_514], %get3A_490 {strides = array<i32>} : memref<512x64xf32, #tpu.memory_space<vmem>>, vector<16xf32>,
        %swap3A_516 = arith.index_cast %add3A_462 : i32 to index
        %swap3A_517 = arith.constant 48 : index
        %swap3A_518 = tpu.vector_load %arg8[%swap3A_516, %swap3A_517] {strides = array<i32>} : memref<512x64xf32, #tpu.memory_space<vmem>>, vector<16xf32>,
        tpu.vector_store %arg8[%swap3A_516, %swap3A_517], %get3A_494 {strides = array<i32>} : memref<512x64xf32, #tpu.memory_space<vmem>>, vector<16xf32>,
        %slice3A_519 = vector.extract_strided_slice %mul3A_191 {offsets = [10], sizes = [1], strides = [1]} : vector<16xi32> to vector<1xi32>
        %squeeze3A_520 = vector.extract %slice3A_519[0] : i32 from vector<1xi32>
        %slice3A_521 = vector.extract_strided_slice %mul3A_191 {offsets = [11], sizes = [1], strides = [1]} : vector<16xi32> to vector<1xi32>
        %squeeze3A_522 = vector.extract %slice3A_521[0] : i32 from vector<1xi32>
        %mul3A_523 = arith.constant 16 : i32
        %mul3A_524 = arith.muli %scan3A_185, %mul3A_523 : i32
        %add3A_525 = arith.constant 10 : i32
        %add3A_526 = arith.addi %mul3A_524, %add3A_525 : i32
        %add3A_527 = arith.constant 1 : i32
        %add3A_528 = arith.addi %add3A_526, %add3A_527 : i32
        %add3A_529 = arith.constant 0 : i32
        %add3A_530 = arith.addi %squeeze3A_520, %add3A_529 : i32
        %get3A_531 = arith.index_cast %add3A_530 : i32 to index
        %get3A_532 = tpu.vector_load %arg5[%get3A_531] {strides = array<i32>} : memref<16448xf32, #tpu.memory_space<vmem>>, vector<16xf32>,
        %add3A_533 = arith.constant 16 : i32
        %add3A_534 = arith.addi %squeeze3A_520, %add3A_533 : i32
        %get3A_535 = arith.index_cast %add3A_534 : i32 to index
        %get3A_536 = tpu.vector_load %arg5[%get3A_535] {strides = array<i32>} : memref<16448xf32, #tpu.memory_space<vmem>>, vector<16xf32>,
        %add3A_537 = arith.constant 32 : i32
        %add3A_538 = arith.addi %squeeze3A_520, %add3A_537 : i32
        %get3A_539 = arith.index_cast %add3A_538 : i32 to index
        %get3A_540 = tpu.vector_load %arg5[%get3A_539] {strides = array<i32>} : memref<16448xf32, #tpu.memory_space<vmem>>, vector<16xf32>,
        %add3A_541 = arith.constant 48 : i32
        %add3A_542 = arith.addi %squeeze3A_520, %add3A_541 : i32
        %get3A_543 = arith.index_cast %add3A_542 : i32 to index
        %get3A_544 = tpu.vector_load %arg5[%get3A_543] {strides = array<i32>} : memref<16448xf32, #tpu.memory_space<vmem>>, vector<16xf32>,
        %add3A_545 = arith.constant 0 : i32
        %add3A_546 = arith.addi %squeeze3A_522, %add3A_545 : i32
        %get3A_547 = arith.index_cast %add3A_546 : i32 to index
        %get3A_548 = tpu.vector_load %arg5[%get3A_547] {strides = array<i32>} : memref<16448xf32, #tpu.memory_space<vmem>>, vector<16xf32>,
        %add3A_549 = arith.constant 16 : i32
        %add3A_550 = arith.addi %squeeze3A_522, %add3A_549 : i32
        %get3A_551 = arith.index_cast %add3A_550 : i32 to index
        %get3A_552 = tpu.vector_load %arg5[%get3A_551] {strides = array<i32>} : memref<16448xf32, #tpu.memory_space<vmem>>, vector<16xf32>,
        %add3A_553 = arith.constant 32 : i32
        %add3A_554 = arith.addi %squeeze3A_522, %add3A_553 : i32
        %get3A_555 = arith.index_cast %add3A_554 : i32 to index
        %get3A_556 = tpu.vector_load %arg5[%get3A_555] {strides = array<i32>} : memref<16448xf32, #tpu.memory_space<vmem>>, vector<16xf32>,
        %add3A_557 = arith.constant 48 : i32
        %add3A_558 = arith.addi %squeeze3A_522, %add3A_557 : i32
        %get3A_559 = arith.index_cast %add3A_558 : i32 to index
        %get3A_560 = tpu.vector_load %arg5[%get3A_559] {strides = array<i32>} : memref<16448xf32, #tpu.memory_space<vmem>>, vector<16xf32>,
        %swap3A_561 = arith.index_cast %add3A_526 : i32 to index
        %swap3A_562 = arith.constant 0 : index
        %swap3A_563 = tpu.vector_load %arg8[%swap3A_561, %swap3A_562] {strides = array<i32>} : memref<512x64xf32, #tpu.memory_space<vmem>>, vector<16xf32>,
        tpu.vector_store %arg8[%swap3A_561, %swap3A_562], %get3A_532 {strides = array<i32>} : memref<512x64xf32, #tpu.memory_space<vmem>>, vector<16xf32>,
        %swap3A_564 = arith.index_cast %add3A_526 : i32 to index
        %swap3A_565 = arith.constant 16 : index
        %swap3A_566 = tpu.vector_load %arg8[%swap3A_564, %swap3A_565] {strides = array<i32>} : memref<512x64xf32, #tpu.memory_space<vmem>>, vector<16xf32>,
        tpu.vector_store %arg8[%swap3A_564, %swap3A_565], %get3A_536 {strides = array<i32>} : memref<512x64xf32, #tpu.memory_space<vmem>>, vector<16xf32>,
        %swap3A_567 = arith.index_cast %add3A_526 : i32 to index
        %swap3A_568 = arith.constant 32 : index
        %swap3A_569 = tpu.vector_load %arg8[%swap3A_567, %swap3A_568] {strides = array<i32>} : memref<512x64xf32, #tpu.memory_space<vmem>>, vector<16xf32>,
        tpu.vector_store %arg8[%swap3A_567, %swap3A_568], %get3A_540 {strides = array<i32>} : memref<512x64xf32, #tpu.memory_space<vmem>>, vector<16xf32>,
        %swap3A_570 = arith.index_cast %add3A_526 : i32 to index
        %swap3A_571 = arith.constant 48 : index
        %swap3A_572 = tpu.vector_load %arg8[%swap3A_570, %swap3A_571] {strides = array<i32>} : memref<512x64xf32, #tpu.memory_space<vmem>>, vector<16xf32>,
        tpu.vector_store %arg8[%swap3A_570, %swap3A_571], %get3A_544 {strides = array<i32>} : memref<512x64xf32, #tpu.memory_space<vmem>>, vector<16xf32>,
        %swap3A_573 = arith.index_cast %add3A_528 : i32 to index
        %swap3A_574 = arith.constant 0 : index
        %swap3A_575 = tpu.vector_load %arg8[%swap3A_573, %swap3A_574] {strides = array<i32>} : memref<512x64xf32, #tpu.memory_space<vmem>>, vector<16xf32>,
        tpu.vector_store %arg8[%swap3A_573, %swap3A_574], %get3A_548 {strides = array<i32>} : memref<512x64xf32, #tpu.memory_space<vmem>>, vector<16xf32>,
        %swap3A_576 = arith.index_cast %add3A_528 : i32 to index
        %swap3A_577 = arith.constant 16 : index
        %swap3A_578 = tpu.vector_load %arg8[%swap3A_576, %swap3A_577] {strides = array<i32>} : memref<512x64xf32, #tpu.memory_space<vmem>>, vector<16xf32>,
        tpu.vector_store %arg8[%swap3A_576, %swap3A_577], %get3A_552 {strides = array<i32>} : memref<512x64xf32, #tpu.memory_space<vmem>>, vector<16xf32>,
        %swap3A_579 = arith.index_cast %add3A_528 : i32 to index
        %swap3A_580 = arith.constant 32 : index
        %swap3A_581 = tpu.vector_load %arg8[%swap3A_579, %swap3A_580] {strides = array<i32>} : memref<512x64xf32, #tpu.memory_space<vmem>>, vector<16xf32>,
        tpu.vector_store %arg8[%swap3A_579, %swap3A_580], %get3A_556 {strides = array<i32>} : memref<512x64xf32, #tpu.memory_space<vmem>>, vector<16xf32>,
        %swap3A_582 = arith.index_cast %add3A_528 : i32 to index
        %swap3A_583 = arith.constant 48 : index
        %swap3A_584 = tpu.vector_load %arg8[%swap3A_582, %swap3A_583] {strides = array<i32>} : memref<512x64xf32, #tpu.memory_space<vmem>>, vector<16xf32>,
        tpu.vector_store %arg8[%swap3A_582, %swap3A_583], %get3A_560 {strides = array<i32>} : memref<512x64xf32, #tpu.memory_space<vmem>>, vector<16xf32>,
        %slice3A_585 = vector.extract_strided_slice %mul3A_191 {offsets = [12], sizes = [1], strides = [1]} : vector<16xi32> to vector<1xi32>
        %squeeze3A_586 = vector.extract %slice3A_585[0] : i32 from vector<1xi32>
        %slice3A_587 = vector.extract_strided_slice %mul3A_191 {offsets = [13], sizes = [1], strides = [1]} : vector<16xi32> to vector<1xi32>
        %squeeze3A_588 = vector.extract %slice3A_587[0] : i32 from vector<1xi32>
        %mul3A_589 = arith.constant 16 : i32
        %mul3A_590 = arith.muli %scan3A_185, %mul3A_589 : i32
        %add3A_591 = arith.constant 12 : i32
        %add3A_592 = arith.addi %mul3A_590, %add3A_591 : i32
        %add3A_593 = arith.constant 1 : i32
        %add3A_594 = arith.addi %add3A_592, %add3A_593 : i32
        %add3A_595 = arith.constant 0 : i32
        %add3A_596 = arith.addi %squeeze3A_586, %add3A_595 : i32
        %get3A_597 = arith.index_cast %add3A_596 : i32 to index
        %get3A_598 = tpu.vector_load %arg5[%get3A_597] {strides = array<i32>} : memref<16448xf32, #tpu.memory_space<vmem>>, vector<16xf32>,
        %add3A_599 = arith.constant 16 : i32
        %add3A_600 = arith.addi %squeeze3A_586, %add3A_599 : i32
        %get3A_601 = arith.index_cast %add3A_600 : i32 to index
        %get3A_602 = tpu.vector_load %arg5[%get3A_601] {strides = array<i32>} : memref<16448xf32, #tpu.memory_space<vmem>>, vector<16xf32>,
        %add3A_603 = arith.constant 32 : i32
        %add3A_604 = arith.addi %squeeze3A_586, %add3A_603 : i32
        %get3A_605 = arith.index_cast %add3A_604 : i32 to index
        %get3A_606 = tpu.vector_load %arg5[%get3A_605] {strides = array<i32>} : memref<16448xf32, #tpu.memory_space<vmem>>, vector<16xf32>,
        %add3A_607 = arith.constant 48 : i32
        %add3A_608 = arith.addi %squeeze3A_586, %add3A_607 : i32
        %get3A_609 = arith.index_cast %add3A_608 : i32 to index
        %get3A_610 = tpu.vector_load %arg5[%get3A_609] {strides = array<i32>} : memref<16448xf32, #tpu.memory_space<vmem>>, vector<16xf32>,
        %add3A_611 = arith.constant 0 : i32
        %add3A_612 = arith.addi %squeeze3A_588, %add3A_611 : i32
        %get3A_613 = arith.index_cast %add3A_612 : i32 to index
        %get3A_614 = tpu.vector_load %arg5[%get3A_613] {strides = array<i32>} : memref<16448xf32, #tpu.memory_space<vmem>>, vector<16xf32>,
        %add3A_615 = arith.constant 16 : i32
        %add3A_616 = arith.addi %squeeze3A_588, %add3A_615 : i32
        %get3A_617 = arith.index_cast %add3A_616 : i32 to index
        %get3A_618 = tpu.vector_load %arg5[%get3A_617] {strides = array<i32>} : memref<16448xf32, #tpu.memory_space<vmem>>, vector<16xf32>,
        %add3A_619 = arith.constant 32 : i32
        %add3A_620 = arith.addi %squeeze3A_588, %add3A_619 : i32
        %get3A_621 = arith.index_cast %add3A_620 : i32 to index
        %get3A_622 = tpu.vector_load %arg5[%get3A_621] {strides = array<i32>} : memref<16448xf32, #tpu.memory_space<vmem>>, vector<16xf32>,
        %add3A_623 = arith.constant 48 : i32
        %add3A_624 = arith.addi %squeeze3A_588, %add3A_623 : i32
        %get3A_625 = arith.index_cast %add3A_624 : i32 to index
        %get3A_626 = tpu.vector_load %arg5[%get3A_625] {strides = array<i32>} : memref<16448xf32, #tpu.memory_space<vmem>>, vector<16xf32>,
        %swap3A_627 = arith.index_cast %add3A_592 : i32 to index
        %swap3A_628 = arith.constant 0 : index
        %swap3A_629 = tpu.vector_load %arg8[%swap3A_627, %swap3A_628] {strides = array<i32>} : memref<512x64xf32, #tpu.memory_space<vmem>>, vector<16xf32>,
        tpu.vector_store %arg8[%swap3A_627, %swap3A_628], %get3A_598 {strides = array<i32>} : memref<512x64xf32, #tpu.memory_space<vmem>>, vector<16xf32>,
        %swap3A_630 = arith.index_cast %add3A_592 : i32 to index
        %swap3A_631 = arith.constant 16 : index
        %swap3A_632 = tpu.vector_load %arg8[%swap3A_630, %swap3A_631] {strides = array<i32>} : memref<512x64xf32, #tpu.memory_space<vmem>>, vector<16xf32>,
        tpu.vector_store %arg8[%swap3A_630, %swap3A_631], %get3A_602 {strides = array<i32>} : memref<512x64xf32, #tpu.memory_space<vmem>>, vector<16xf32>,
        %swap3A_633 = arith.index_cast %add3A_592 : i32 to index
        %swap3A_634 = arith.constant 32 : index
        %swap3A_635 = tpu.vector_load %arg8[%swap3A_633, %swap3A_634] {strides = array<i32>} : memref<512x64xf32, #tpu.memory_space<vmem>>, vector<16xf32>,
        tpu.vector_store %arg8[%swap3A_633, %swap3A_634], %get3A_606 {strides = array<i32>} : memref<512x64xf32, #tpu.memory_space<vmem>>, vector<16xf32>,
        %swap3A_636 = arith.index_cast %add3A_592 : i32 to index
        %swap3A_637 = arith.constant 48 : index
        %swap3A_638 = tpu.vector_load %arg8[%swap3A_636, %swap3A_637] {strides = array<i32>} : memref<512x64xf32, #tpu.memory_space<vmem>>, vector<16xf32>,
        tpu.vector_store %arg8[%swap3A_636, %swap3A_637], %get3A_610 {strides = array<i32>} : memref<512x64xf32, #tpu.memory_space<vmem>>, vector<16xf32>,
        %swap3A_639 = arith.index_cast %add3A_594 : i32 to index
        %swap3A_640 = arith.constant 0 : index
        %swap3A_641 = tpu.vector_load %arg8[%swap3A_639, %swap3A_640] {strides = array<i32>} : memref<512x64xf32, #tpu.memory_space<vmem>>, vector<16xf32>,
        tpu.vector_store %arg8[%swap3A_639, %swap3A_640], %get3A_614 {strides = array<i32>} : memref<512x64xf32, #tpu.memory_space<vmem>>, vector<16xf32>,
        %swap3A_642 = arith.index_cast %add3A_594 : i32 to index
        %swap3A_643 = arith.constant 16 : index
        %swap3A_644 = tpu.vector_load %arg8[%swap3A_642, %swap3A_643] {strides = array<i32>} : memref<512x64xf32, #tpu.memory_space<vmem>>, vector<16xf32>,
        tpu.vector_store %arg8[%swap3A_642, %swap3A_643], %get3A_618 {strides = array<i32>} : memref<512x64xf32, #tpu.memory_space<vmem>>, vector<16xf32>,
        %swap3A_645 = arith.index_cast %add3A_594 : i32 to index
        %swap3A_646 = arith.constant 32 : index
        %swap3A_647 = tpu.vector_load %arg8[%swap3A_645, %swap3A_646] {strides = array<i32>} : memref<512x64xf32, #tpu.memory_space<vmem>>, vector<16xf32>,
        tpu.vector_store %arg8[%swap3A_645, %swap3A_646], %get3A_622 {strides = array<i32>} : memref<512x64xf32, #tpu.memory_space<vmem>>, vector<16xf32>,
        %swap3A_648 = arith.index_cast %add3A_594 : i32 to index
        %swap3A_649 = arith.constant 48 : index
        %swap3A_650 = tpu.vector_load %arg8[%swap3A_648, %swap3A_649] {strides = array<i32>} : memref<512x64xf32, #tpu.memory_space<vmem>>, vector<16xf32>,
        tpu.vector_store %arg8[%swap3A_648, %swap3A_649], %get3A_626 {strides = array<i32>} : memref<512x64xf32, #tpu.memory_space<vmem>>, vector<16xf32>,
        %slice3A_651 = vector.extract_strided_slice %mul3A_191 {offsets = [14], sizes = [1], strides = [1]} : vector<16xi32> to vector<1xi32>
        %squeeze3A_652 = vector.extract %slice3A_651[0] : i32 from vector<1xi32>
        %slice3A_653 = vector.extract_strided_slice %mul3A_191 {offsets = [15], sizes = [1], strides = [1]} : vector<16xi32> to vector<1xi32>
        %squeeze3A_654 = vector.extract %slice3A_653[0] : i32 from vector<1xi32>
        %mul3A_655 = arith.constant 16 : i32
        %mul3A_656 = arith.muli %scan3A_185, %mul3A_655 : i32
        %add3A_657 = arith.constant 14 : i32
        %add3A_658 = arith.addi %mul3A_656, %add3A_657 : i32
        %add3A_659 = arith.constant 1 : i32
        %add3A_660 = arith.addi %add3A_658, %add3A_659 : i32
        %add3A_661 = arith.constant 0 : i32
        %add3A_662 = arith.addi %squeeze3A_652, %add3A_661 : i32
        %get3A_663 = arith.index_cast %add3A_662 : i32 to index
        %get3A_664 = tpu.vector_load %arg5[%get3A_663] {strides = array<i32>} : memref<16448xf32, #tpu.memory_space<vmem>>, vector<16xf32>,
        %add3A_665 = arith.constant 16 : i32
        %add3A_666 = arith.addi %squeeze3A_652, %add3A_665 : i32
        %get3A_667 = arith.index_cast %add3A_666 : i32 to index
        %get3A_668 = tpu.vector_load %arg5[%get3A_667] {strides = array<i32>} : memref<16448xf32, #tpu.memory_space<vmem>>, vector<16xf32>,
        %add3A_669 = arith.constant 32 : i32
        %add3A_670 = arith.addi %squeeze3A_652, %add3A_669 : i32
        %get3A_671 = arith.index_cast %add3A_670 : i32 to index
        %get3A_672 = tpu.vector_load %arg5[%get3A_671] {strides = array<i32>} : memref<16448xf32, #tpu.memory_space<vmem>>, vector<16xf32>,
        %add3A_673 = arith.constant 48 : i32
        %add3A_674 = arith.addi %squeeze3A_652, %add3A_673 : i32
        %get3A_675 = arith.index_cast %add3A_674 : i32 to index
        %get3A_676 = tpu.vector_load %arg5[%get3A_675] {strides = array<i32>} : memref<16448xf32, #tpu.memory_space<vmem>>, vector<16xf32>,
        %add3A_677 = arith.constant 0 : i32
        %add3A_678 = arith.addi %squeeze3A_654, %add3A_677 : i32
        %get3A_679 = arith.index_cast %add3A_678 : i32 to index
        %get3A_680 = tpu.vector_load %arg5[%get3A_679] {strides = array<i32>} : memref<16448xf32, #tpu.memory_space<vmem>>, vector<16xf32>,
        %add3A_681 = arith.constant 16 : i32
        %add3A_682 = arith.addi %squeeze3A_654, %add3A_681 : i32
        %get3A_683 = arith.index_cast %add3A_682 : i32 to index
        %get3A_684 = tpu.vector_load %arg5[%get3A_683] {strides = array<i32>} : memref<16448xf32, #tpu.memory_space<vmem>>, vector<16xf32>,
        %add3A_685 = arith.constant 32 : i32
        %add3A_686 = arith.addi %squeeze3A_654, %add3A_685 : i32
        %get3A_687 = arith.index_cast %add3A_686 : i32 to index
        %get3A_688 = tpu.vector_load %arg5[%get3A_687] {strides = array<i32>} : memref<16448xf32, #tpu.memory_space<vmem>>, vector<16xf32>,
        %add3A_689 = arith.constant 48 : i32
        %add3A_690 = arith.addi %squeeze3A_654, %add3A_689 : i32
        %get3A_691 = arith.index_cast %add3A_690 : i32 to index
        %get3A_692 = tpu.vector_load %arg5[%get3A_691] {strides = array<i32>} : memref<16448xf32, #tpu.memory_space<vmem>>, vector<16xf32>,
        %swap3A_693 = arith.index_cast %add3A_658 : i32 to index
        %swap3A_694 = arith.constant 0 : index
        %swap3A_695 = tpu.vector_load %arg8[%swap3A_693, %swap3A_694] {strides = array<i32>} : memref<512x64xf32, #tpu.memory_space<vmem>>, vector<16xf32>,
        tpu.vector_store %arg8[%swap3A_693, %swap3A_694], %get3A_664 {strides = array<i32>} : memref<512x64xf32, #tpu.memory_space<vmem>>, vector<16xf32>,
        %swap3A_696 = arith.index_cast %add3A_658 : i32 to index
        %swap3A_697 = arith.constant 16 : index
        %swap3A_698 = tpu.vector_load %arg8[%swap3A_696, %swap3A_697] {strides = array<i32>} : memref<512x64xf32, #tpu.memory_space<vmem>>, vector<16xf32>,
        tpu.vector_store %arg8[%swap3A_696, %swap3A_697], %get3A_668 {strides = array<i32>} : memref<512x64xf32, #tpu.memory_space<vmem>>, vector<16xf32>,
        %swap3A_699 = arith.index_cast %add3A_658 : i32 to index
        %swap3A_700 = arith.constant 32 : index
        %swap3A_701 = tpu.vector_load %arg8[%swap3A_699, %swap3A_700] {strides = array<i32>} : memref<512x64xf32, #tpu.memory_space<vmem>>, vector<16xf32>,
        tpu.vector_store %arg8[%swap3A_699, %swap3A_700], %get3A_672 {strides = array<i32>} : memref<512x64xf32, #tpu.memory_space<vmem>>, vector<16xf32>,
        %swap3A_702 = arith.index_cast %add3A_658 : i32 to index
        %swap3A_703 = arith.constant 48 : index
        %swap3A_704 = tpu.vector_load %arg8[%swap3A_702, %swap3A_703] {strides = array<i32>} : memref<512x64xf32, #tpu.memory_space<vmem>>, vector<16xf32>,
        tpu.vector_store %arg8[%swap3A_702, %swap3A_703], %get3A_676 {strides = array<i32>} : memref<512x64xf32, #tpu.memory_space<vmem>>, vector<16xf32>,
        %swap3A_705 = arith.index_cast %add3A_660 : i32 to index
        %swap3A_706 = arith.constant 0 : index
        %swap3A_707 = tpu.vector_load %arg8[%swap3A_705, %swap3A_706] {strides = array<i32>} : memref<512x64xf32, #tpu.memory_space<vmem>>, vector<16xf32>,
        tpu.vector_store %arg8[%swap3A_705, %swap3A_706], %get3A_680 {strides = array<i32>} : memref<512x64xf32, #tpu.memory_space<vmem>>, vector<16xf32>,
        %swap3A_708 = arith.index_cast %add3A_660 : i32 to index
        %swap3A_709 = arith.constant 16 : index
        %swap3A_710 = tpu.vector_load %arg8[%swap3A_708, %swap3A_709] {strides = array<i32>} : memref<512x64xf32, #tpu.memory_space<vmem>>, vector<16xf32>,
        tpu.vector_store %arg8[%swap3A_708, %swap3A_709], %get3A_684 {strides = array<i32>} : memref<512x64xf32, #tpu.memory_space<vmem>>, vector<16xf32>,
        %swap3A_711 = arith.index_cast %add3A_660 : i32 to index
        %swap3A_712 = arith.constant 32 : index
        %swap3A_713 = tpu.vector_load %arg8[%swap3A_711, %swap3A_712] {strides = array<i32>} : memref<512x64xf32, #tpu.memory_space<vmem>>, vector<16xf32>,
        tpu.vector_store %arg8[%swap3A_711, %swap3A_712], %get3A_688 {strides = array<i32>} : memref<512x64xf32, #tpu.memory_space<vmem>>, vector<16xf32>,
        %swap3A_714 = arith.index_cast %add3A_660 : i32 to index
        %swap3A_715 = arith.constant 48 : index
        %swap3A_716 = tpu.vector_load %arg8[%swap3A_714, %swap3A_715] {strides = array<i32>} : memref<512x64xf32, #tpu.memory_space<vmem>>, vector<16xf32>,
        tpu.vector_store %arg8[%swap3A_714, %swap3A_715], %get3A_692 {strides = array<i32>} : memref<512x64xf32, #tpu.memory_space<vmem>>, vector<16xf32>,
      }
      %scan3A_69 = arith.constant 32 : i32
      %jit3A = arith.constant 4 : i32
      %div3A = arith.divsi %mul3A_45, %jit3A : i32
      %sign3A = arith.constant 0 : i32
      %sign3A_70 = arith.cmpi sgt, %mul3A_45, %sign3A : i32
      %sign3A_71 = arith.extui %sign3A_70 : i1 to i32
      %sign3A_72 = arith.constant 0 : i32
      %sign3A_73 = arith.cmpi slt, %mul3A_45, %sign3A_72 : i32
      %sign3A_74 = arith.extui %sign3A_73 : i1 to i32
      %sign3A_75 = arith.subi %sign3A_71, %sign3A_74 : i32
      %sign3A_76 = arith.constant 0 : i32
      %sign3A_77 = arith.cmpi sgt, %jit3A, %sign3A_76 : i32
      %sign3A_78 = arith.extui %sign3A_77 : i1 to i32
      %sign3A_79 = arith.constant 0 : i32
      %sign3A_80 = arith.cmpi slt, %jit3A, %sign3A_79 : i32
      %sign3A_81 = arith.extui %sign3A_80 : i1 to i32
      %sign3A_82 = arith.subi %sign3A_78, %sign3A_81 : i32
      %ne3A = arith.cmpi ne, %sign3A_75, %sign3A_82 : i32
      %rem3A = arith.remsi %mul3A_45, %jit3A : i32
      %ne3A_83 = arith.constant 0 : i32
      %ne3A_84 = arith.cmpi ne, %rem3A, %ne3A_83 : i32
      %and3A = arith.andi %ne3A, %ne3A_84 : i1
      %sub3A = arith.constant 1 : i32
      %sub3A_85 = arith.subi %div3A, %sub3A : i32
      %select_n3A = arith.select %and3A, %sub3A_85, %div3A : i32
      %add3A_86 = arith.addi %mul3A_4, %select_n3A : i32
      %jit3A_87 = arith.constant 4 : i32
      %eq3A = arith.constant 0 : i32
      %eq3A_88 = arith.cmpi eq, %jit3A_87, %eq3A : i32
      %jit3A_89 = arith.constant 1 : i32
      %select_n3A_90 = arith.select %eq3A_88, %jit3A_89, %jit3A_87 : i32
      %rem3A_91 = arith.remsi %mul3A_45, %select_n3A_90 : i32
      %ne3A_92 = arith.constant 0 : i32
      %ne3A_93 = arith.cmpi ne, %rem3A_91, %ne3A_92 : i32
      %lt3A = arith.constant 0 : i32
      %lt3A_94 = arith.cmpi slt, %rem3A_91, %lt3A : i32
      %lt3A_95 = arith.constant 0 : i32
      %lt3A_96 = arith.cmpi slt, %select_n3A_90, %lt3A_95 : i32
      %ne3A_97 = arith.xori %lt3A_94, %lt3A_96 : i1
      %and3A_98 = arith.andi %ne3A_97, %ne3A_93 : i1
      %add3A_99 = arith.addi %rem3A_91, %select_n3A_90 : i32
      %select_n3A_100 = arith.select %and3A_98, %add3A_99, %rem3A_91 : i32
      %mul3A_101 = arith.constant 512 : i32
      %mul3A_102 = arith.muli %select_n3A_100, %mul3A_101 : i32
      %dma_start3A_103 = arith.constant 0 : i32
      %dma_start3A_104 = tpu.memref_slice %arg4[%add3A_86, %mul3A_102, %dma_start3A_103] : memref<2048x2048x64xf32, #tpu.memory_space<hbm>> -> memref<1x512x64xf32, #tpu.memory_space<hbm>>
      %dma_start3A_105 = tpu.memref_squeeze %dma_start3A_104 : memref<1x512x64xf32, #tpu.memory_space<hbm>> -> memref<512x64xf32, #tpu.memory_space<hbm>>
      %dma_start3A_106 = arith.constant 0 : i32
      %dma_start3A_107 = tpu.memref_slice %arg4[%add3A_86, %mul3A_102, %dma_start3A_106] : memref<2048x2048x64xf32, #tpu.memory_space<hbm>> -> memref<1x512x64xf32, #tpu.memory_space<hbm>>
      %dma_start3A_108 = tpu.memref_squeeze %dma_start3A_107 : memref<1x512x64xf32, #tpu.memory_space<hbm>> -> memref<512x64xf32, #tpu.memory_space<hbm>>
      tpu.enqueue_dma source(%arg8 : memref<512x64xf32, #tpu.memory_space<vmem>>) target(%dma_start3A_108 : memref<512x64xf32, #tpu.memory_space<hbm>>) target_semaphore(%arg10 : memref<!tpu.dma_semaphore, #tpu.memory_space<semaphore_mem>>)
      %add3A_109 = arith.constant 2 : i32
      %add3A_110 = arith.addi %mul3A_45, %add3A_109 : i32
      %min3A_111 = arith.constant 255 : i32
      %min3A_112 = arith.minsi %add3A_110, %min3A_111 : i32
      %mul3A_113 = arith.constant 512 : i32
      %mul3A_114 = arith.muli %min3A_112, %mul3A_113 : i32
      %add3A_115 = arith.addi %mul3A_2, %mul3A_114 : i32
      %dma_start3A_116 = tpu.memref_slice %arg2[%add3A_115] : memref<4194304xi32, #tpu.memory_space<hbm>> -> memref<512xi32, #tpu.memory_space<hbm>>
      %dma_start3A_117 = tpu.memref_slice %arg2[%add3A_115] : memref<4194304xi32, #tpu.memory_space<hbm>> -> memref<512xi32, #tpu.memory_space<hbm>>
      tpu.enqueue_dma source(%dma_start3A_117 : memref<512xi32, #tpu.memory_space<hbm>>) target(%arg6 : memref<512xi32, #tpu.memory_space<vmem>>) target_semaphore(%arg12 : memref<!tpu.dma_semaphore, #tpu.memory_space<semaphore_mem>>)
      %min3A_118 = arith.constant 255 : i32
      %min3A_119 = arith.minsi %add3A_47, %min3A_118 : i32
      %mul3A_120 = arith.constant 512 : i32
      %mul3A_121 = arith.muli %min3A_119, %mul3A_120 : i32
      %add3A_122 = arith.addi %mul3A_2, %mul3A_121 : i32
      %dma_wait3A_123 = tpu.memref_slice %arg2[%add3A_122] : memref<4194304xi32, #tpu.memory_space<hbm>> -> memref<512xi32, #tpu.memory_space<hbm>>
      %dma_wait3A_124 = tpu.memref_slice %arg2[%add3A_122] : memref<4194304xi32, #tpu.memory_space<hbm>> -> memref<512xi32, #tpu.memory_space<hbm>>
      tpu.wait_dma2 semaphore(%arg13 : memref<!tpu.dma_semaphore, #tpu.memory_space<semaphore_mem>>) src(%dma_wait3A_124 : memref<512xi32, #tpu.memory_space<hbm>>) dst(%arg7 : memref<512xi32, #tpu.memory_space<vmem>>)
      %gt3A_125 = arith.constant 0 : i32
      %gt3A_126 = arith.cmpi sgt, %scan3A_43, %gt3A_125 : i32
      %convert_element_type3A_127 = arith.extui %gt3A_126 : i1 to i32
      %cond3A_128 = arith.constant 0 : i32
      %cond3A_129 = arith.cmpi ne, %convert_element_type3A_127, %cond3A_128 : i32
      scf.if %cond3A_129 {
        %jit3A_185 = arith.constant 4 : i32
        %div3A_186 = arith.divsi %add3A_47, %jit3A_185 : i32
        %sign3A_187 = arith.constant 0 : i32
        %sign3A_188 = arith.cmpi sgt, %add3A_47, %sign3A_187 : i32
        %sign3A_189 = arith.extui %sign3A_188 : i1 to i32
        %sign3A_190 = arith.constant 0 : i32
        %sign3A_191 = arith.cmpi slt, %add3A_47, %sign3A_190 : i32
        %sign3A_192 = arith.extui %sign3A_191 : i1 to i32
        %sign3A_193 = arith.subi %sign3A_189, %sign3A_192 : i32
        %sign3A_194 = arith.constant 0 : i32
        %sign3A_195 = arith.cmpi sgt, %jit3A_185, %sign3A_194 : i32
        %sign3A_196 = arith.extui %sign3A_195 : i1 to i32
        %sign3A_197 = arith.constant 0 : i32
        %sign3A_198 = arith.cmpi slt, %jit3A_185, %sign3A_197 : i32
        %sign3A_199 = arith.extui %sign3A_198 : i1 to i32
        %sign3A_200 = arith.subi %sign3A_196, %sign3A_199 : i32
        %ne3A_201 = arith.cmpi ne, %sign3A_193, %sign3A_200 : i32
        %rem3A_202 = arith.remsi %add3A_47, %jit3A_185 : i32
        %ne3A_203 = arith.constant 0 : i32
        %ne3A_204 = arith.cmpi ne, %rem3A_202, %ne3A_203 : i32
        %and3A_205 = arith.andi %ne3A_201, %ne3A_204 : i1
        %sub3A_206 = arith.constant 1 : i32
        %sub3A_207 = arith.subi %div3A_186, %sub3A_206 : i32
        %select_n3A_208 = arith.select %and3A_205, %sub3A_207, %div3A_186 : i32
        %add3A_209 = arith.addi %mul3A_4, %select_n3A_208 : i32
        %jit3A_210 = arith.constant 4 : i32
        %eq3A_211 = arith.constant 0 : i32
        %eq3A_212 = arith.cmpi eq, %jit3A_210, %eq3A_211 : i32
        %jit3A_213 = arith.constant 1 : i32
        %select_n3A_214 = arith.select %eq3A_212, %jit3A_213, %jit3A_210 : i32
        %rem3A_215 = arith.remsi %add3A_47, %select_n3A_214 : i32
        %ne3A_216 = arith.constant 0 : i32
        %ne3A_217 = arith.cmpi ne, %rem3A_215, %ne3A_216 : i32
        %lt3A_218 = arith.constant 0 : i32
        %lt3A_219 = arith.cmpi slt, %rem3A_215, %lt3A_218 : i32
        %lt3A_220 = arith.constant 0 : i32
        %lt3A_221 = arith.cmpi slt, %select_n3A_214, %lt3A_220 : i32
        %ne3A_222 = arith.xori %lt3A_219, %lt3A_221 : i1
        %and3A_223 = arith.andi %ne3A_222, %ne3A_217 : i1
        %add3A_224 = arith.addi %rem3A_215, %select_n3A_214 : i32
        %select_n3A_225 = arith.select %and3A_223, %add3A_224, %rem3A_215 : i32
        %mul3A_226 = arith.constant 512 : i32
        %mul3A_227 = arith.muli %select_n3A_225, %mul3A_226 : i32
        %dma_wait3A_228 = arith.constant 0 : i32
        %dma_wait3A_229 = tpu.memref_slice %arg4[%add3A_209, %mul3A_227, %dma_wait3A_228] : memref<2048x2048x64xf32, #tpu.memory_space<hbm>> -> memref<1x512x64xf32, #tpu.memory_space<hbm>>
        %dma_wait3A_230 = tpu.memref_squeeze %dma_wait3A_229 : memref<1x512x64xf32, #tpu.memory_space<hbm>> -> memref<512x64xf32, #tpu.memory_space<hbm>>
        %dma_wait3A_231 = arith.constant 0 : i32
        %dma_wait3A_232 = tpu.memref_slice %arg4[%add3A_209, %mul3A_227, %dma_wait3A_231] : memref<2048x2048x64xf32, #tpu.memory_space<hbm>> -> memref<1x512x64xf32, #tpu.memory_space<hbm>>
        %dma_wait3A_233 = tpu.memref_squeeze %dma_wait3A_232 : memref<1x512x64xf32, #tpu.memory_space<hbm>> -> memref<512x64xf32, #tpu.memory_space<hbm>>
        tpu.wait_dma2 semaphore(%arg11 : memref<!tpu.dma_semaphore, #tpu.memory_space<semaphore_mem>>) src(%arg9 : memref<512x64xf32, #tpu.memory_space<vmem>>) dst(%dma_wait3A_233 : memref<512x64xf32, #tpu.memory_space<hbm>>)
      } else {
      }
      %scan3A_130 = arith.constant 0 : i32
      %scan3A_131 = arith.constant 0 : i32
      %scan3A_132 = arith.constant 32 : i32
      %scan3A_133 = arith.addi %scan3A_131, %scan3A_132 : i32
      %scan3A_134 = arith.constant 1 : i32
      scf.for %scan3A_185 = %scan3A_131 to %scan3A_133 step %scan3A_134  : i32 {
        %mul3A_186 = arith.constant 16 : i32
        %mul3A_187 = arith.muli %scan3A_185, %mul3A_186 : i32
        %get3A = arith.index_cast %mul3A_187 : i32 to index
        %get3A_188 = tpu.vector_load %arg7[%get3A] {strides = array<i32>} : memref<512xi32, #tpu.memory_space<vmem>>, vector<16xi32>,
        %mul3A_189 = arith.constant 64 : i32
        %mul3A_190 = vector.broadcast %mul3A_189 : i32 to vector<16xi32>
        %mul3A_191 = arith.muli %get3A_188, %mul3A_190 : vector<16xi32>
        %slice3A = vector.extract_strided_slice %mul3A_191 {offsets = [0], sizes = [1], strides = [1]} : vector<16xi32> to vector<1xi32>
        %squeeze3A = vector.extract %slice3A[0] : i32 from vector<1xi32>
        %slice3A_192 = vector.extract_strided_slice %mul3A_191 {offsets = [1], sizes = [1], strides = [1]} : vector<16xi32> to vector<1xi32>
        %squeeze3A_193 = vector.extract %slice3A_192[0] : i32 from vector<1xi32>
        %mul3A_194 = arith.constant 16 : i32
        %mul3A_195 = arith.muli %scan3A_185, %mul3A_194 : i32
        %add3A_196 = arith.constant 0 : i32
        %add3A_197 = arith.addi %mul3A_195, %add3A_196 : i32
        %add3A_198 = arith.constant 1 : i32
        %add3A_199 = arith.addi %add3A_197, %add3A_198 : i32
        %add3A_200 = arith.constant 0 : i32
        %add3A_201 = arith.addi %squeeze3A, %add3A_200 : i32
        %get3A_202 = arith.index_cast %add3A_201 : i32 to index
        %get3A_203 = tpu.vector_load %arg5[%get3A_202] {strides = array<i32>} : memref<16448xf32, #tpu.memory_space<vmem>>, vector<16xf32>,
        %add3A_204 = arith.constant 16 : i32
        %add3A_205 = arith.addi %squeeze3A, %add3A_204 : i32
        %get3A_206 = arith.index_cast %add3A_205 : i32 to index
        %get3A_207 = tpu.vector_load %arg5[%get3A_206] {strides = array<i32>} : memref<16448xf32, #tpu.memory_space<vmem>>, vector<16xf32>,
        %add3A_208 = arith.constant 32 : i32
        %add3A_209 = arith.addi %squeeze3A, %add3A_208 : i32
        %get3A_210 = arith.index_cast %add3A_209 : i32 to index
        %get3A_211 = tpu.vector_load %arg5[%get3A_210] {strides = array<i32>} : memref<16448xf32, #tpu.memory_space<vmem>>, vector<16xf32>,
        %add3A_212 = arith.constant 48 : i32
        %add3A_213 = arith.addi %squeeze3A, %add3A_212 : i32
        %get3A_214 = arith.index_cast %add3A_213 : i32 to index
        %get3A_215 = tpu.vector_load %arg5[%get3A_214] {strides = array<i32>} : memref<16448xf32, #tpu.memory_space<vmem>>, vector<16xf32>,
        %add3A_216 = arith.constant 0 : i32
        %add3A_217 = arith.addi %squeeze3A_193, %add3A_216 : i32
        %get3A_218 = arith.index_cast %add3A_217 : i32 to index
        %get3A_219 = tpu.vector_load %arg5[%get3A_218] {strides = array<i32>} : memref<16448xf32, #tpu.memory_space<vmem>>, vector<16xf32>,
        %add3A_220 = arith.constant 16 : i32
        %add3A_221 = arith.addi %squeeze3A_193, %add3A_220 : i32
        %get3A_222 = arith.index_cast %add3A_221 : i32 to index
        %get3A_223 = tpu.vector_load %arg5[%get3A_222] {strides = array<i32>} : memref<16448xf32, #tpu.memory_space<vmem>>, vector<16xf32>,
        %add3A_224 = arith.constant 32 : i32
        %add3A_225 = arith.addi %squeeze3A_193, %add3A_224 : i32
        %get3A_226 = arith.index_cast %add3A_225 : i32 to index
        %get3A_227 = tpu.vector_load %arg5[%get3A_226] {strides = array<i32>} : memref<16448xf32, #tpu.memory_space<vmem>>, vector<16xf32>,
        %add3A_228 = arith.constant 48 : i32
        %add3A_229 = arith.addi %squeeze3A_193, %add3A_228 : i32
        %get3A_230 = arith.index_cast %add3A_229 : i32 to index
        %get3A_231 = tpu.vector_load %arg5[%get3A_230] {strides = array<i32>} : memref<16448xf32, #tpu.memory_space<vmem>>, vector<16xf32>,
        %swap3A = arith.index_cast %add3A_197 : i32 to index
        %swap3A_232 = arith.constant 0 : index
        %swap3A_233 = tpu.vector_load %arg9[%swap3A, %swap3A_232] {strides = array<i32>} : memref<512x64xf32, #tpu.memory_space<vmem>>, vector<16xf32>,
        tpu.vector_store %arg9[%swap3A, %swap3A_232], %get3A_203 {strides = array<i32>} : memref<512x64xf32, #tpu.memory_space<vmem>>, vector<16xf32>,
        %swap3A_234 = arith.index_cast %add3A_197 : i32 to index
        %swap3A_235 = arith.constant 16 : index
        %swap3A_236 = tpu.vector_load %arg9[%swap3A_234, %swap3A_235] {strides = array<i32>} : memref<512x64xf32, #tpu.memory_space<vmem>>, vector<16xf32>,
        tpu.vector_store %arg9[%swap3A_234, %swap3A_235], %get3A_207 {strides = array<i32>} : memref<512x64xf32, #tpu.memory_space<vmem>>, vector<16xf32>,
        %swap3A_237 = arith.index_cast %add3A_197 : i32 to index
        %swap3A_238 = arith.constant 32 : index
        %swap3A_239 = tpu.vector_load %arg9[%swap3A_237, %swap3A_238] {strides = array<i32>} : memref<512x64xf32, #tpu.memory_space<vmem>>, vector<16xf32>,
        tpu.vector_store %arg9[%swap3A_237, %swap3A_238], %get3A_211 {strides = array<i32>} : memref<512x64xf32, #tpu.memory_space<vmem>>, vector<16xf32>,
        %swap3A_240 = arith.index_cast %add3A_197 : i32 to index
        %swap3A_241 = arith.constant 48 : index
        %swap3A_242 = tpu.vector_load %arg9[%swap3A_240, %swap3A_241] {strides = array<i32>} : memref<512x64xf32, #tpu.memory_space<vmem>>, vector<16xf32>,
        tpu.vector_store %arg9[%swap3A_240, %swap3A_241], %get3A_215 {strides = array<i32>} : memref<512x64xf32, #tpu.memory_space<vmem>>, vector<16xf32>,
        %swap3A_243 = arith.index_cast %add3A_199 : i32 to index
        %swap3A_244 = arith.constant 0 : index
        %swap3A_245 = tpu.vector_load %arg9[%swap3A_243, %swap3A_244] {strides = array<i32>} : memref<512x64xf32, #tpu.memory_space<vmem>>, vector<16xf32>,
        tpu.vector_store %arg9[%swap3A_243, %swap3A_244], %get3A_219 {strides = array<i32>} : memref<512x64xf32, #tpu.memory_space<vmem>>, vector<16xf32>,
        %swap3A_246 = arith.index_cast %add3A_199 : i32 to index
        %swap3A_247 = arith.constant 16 : index
        %swap3A_248 = tpu.vector_load %arg9[%swap3A_246, %swap3A_247] {strides = array<i32>} : memref<512x64xf32, #tpu.memory_space<vmem>>, vector<16xf32>,
        tpu.vector_store %arg9[%swap3A_246, %swap3A_247], %get3A_223 {strides = array<i32>} : memref<512x64xf32, #tpu.memory_space<vmem>>, vector<16xf32>,
        %swap3A_249 = arith.index_cast %add3A_199 : i32 to index
        %swap3A_250 = arith.constant 32 : index
        %swap3A_251 = tpu.vector_load %arg9[%swap3A_249, %swap3A_250] {strides = array<i32>} : memref<512x64xf32, #tpu.memory_space<vmem>>, vector<16xf32>,
        tpu.vector_store %arg9[%swap3A_249, %swap3A_250], %get3A_227 {strides = array<i32>} : memref<512x64xf32, #tpu.memory_space<vmem>>, vector<16xf32>,
        %swap3A_252 = arith.index_cast %add3A_199 : i32 to index
        %swap3A_253 = arith.constant 48 : index
        %swap3A_254 = tpu.vector_load %arg9[%swap3A_252, %swap3A_253] {strides = array<i32>} : memref<512x64xf32, #tpu.memory_space<vmem>>, vector<16xf32>,
        tpu.vector_store %arg9[%swap3A_252, %swap3A_253], %get3A_231 {strides = array<i32>} : memref<512x64xf32, #tpu.memory_space<vmem>>, vector<16xf32>,
        %slice3A_255 = vector.extract_strided_slice %mul3A_191 {offsets = [2], sizes = [1], strides = [1]} : vector<16xi32> to vector<1xi32>
        %squeeze3A_256 = vector.extract %slice3A_255[0] : i32 from vector<1xi32>
        %slice3A_257 = vector.extract_strided_slice %mul3A_191 {offsets = [3], sizes = [1], strides = [1]} : vector<16xi32> to vector<1xi32>
        %squeeze3A_258 = vector.extract %slice3A_257[0] : i32 from vector<1xi32>
        %mul3A_259 = arith.constant 16 : i32
        %mul3A_260 = arith.muli %scan3A_185, %mul3A_259 : i32
        %add3A_261 = arith.constant 2 : i32
        %add3A_262 = arith.addi %mul3A_260, %add3A_261 : i32
        %add3A_263 = arith.constant 1 : i32
        %add3A_264 = arith.addi %add3A_262, %add3A_263 : i32
        %add3A_265 = arith.constant 0 : i32
        %add3A_266 = arith.addi %squeeze3A_256, %add3A_265 : i32
        %get3A_267 = arith.index_cast %add3A_266 : i32 to index
        %get3A_268 = tpu.vector_load %arg5[%get3A_267] {strides = array<i32>} : memref<16448xf32, #tpu.memory_space<vmem>>, vector<16xf32>,
        %add3A_269 = arith.constant 16 : i32
        %add3A_270 = arith.addi %squeeze3A_256, %add3A_269 : i32
        %get3A_271 = arith.index_cast %add3A_270 : i32 to index
        %get3A_272 = tpu.vector_load %arg5[%get3A_271] {strides = array<i32>} : memref<16448xf32, #tpu.memory_space<vmem>>, vector<16xf32>,
        %add3A_273 = arith.constant 32 : i32
        %add3A_274 = arith.addi %squeeze3A_256, %add3A_273 : i32
        %get3A_275 = arith.index_cast %add3A_274 : i32 to index
        %get3A_276 = tpu.vector_load %arg5[%get3A_275] {strides = array<i32>} : memref<16448xf32, #tpu.memory_space<vmem>>, vector<16xf32>,
        %add3A_277 = arith.constant 48 : i32
        %add3A_278 = arith.addi %squeeze3A_256, %add3A_277 : i32
        %get3A_279 = arith.index_cast %add3A_278 : i32 to index
        %get3A_280 = tpu.vector_load %arg5[%get3A_279] {strides = array<i32>} : memref<16448xf32, #tpu.memory_space<vmem>>, vector<16xf32>,
        %add3A_281 = arith.constant 0 : i32
        %add3A_282 = arith.addi %squeeze3A_258, %add3A_281 : i32
        %get3A_283 = arith.index_cast %add3A_282 : i32 to index
        %get3A_284 = tpu.vector_load %arg5[%get3A_283] {strides = array<i32>} : memref<16448xf32, #tpu.memory_space<vmem>>, vector<16xf32>,
        %add3A_285 = arith.constant 16 : i32
        %add3A_286 = arith.addi %squeeze3A_258, %add3A_285 : i32
        %get3A_287 = arith.index_cast %add3A_286 : i32 to index
        %get3A_288 = tpu.vector_load %arg5[%get3A_287] {strides = array<i32>} : memref<16448xf32, #tpu.memory_space<vmem>>, vector<16xf32>,
        %add3A_289 = arith.constant 32 : i32
        %add3A_290 = arith.addi %squeeze3A_258, %add3A_289 : i32
        %get3A_291 = arith.index_cast %add3A_290 : i32 to index
        %get3A_292 = tpu.vector_load %arg5[%get3A_291] {strides = array<i32>} : memref<16448xf32, #tpu.memory_space<vmem>>, vector<16xf32>,
        %add3A_293 = arith.constant 48 : i32
        %add3A_294 = arith.addi %squeeze3A_258, %add3A_293 : i32
        %get3A_295 = arith.index_cast %add3A_294 : i32 to index
        %get3A_296 = tpu.vector_load %arg5[%get3A_295] {strides = array<i32>} : memref<16448xf32, #tpu.memory_space<vmem>>, vector<16xf32>,
        %swap3A_297 = arith.index_cast %add3A_262 : i32 to index
        %swap3A_298 = arith.constant 0 : index
        %swap3A_299 = tpu.vector_load %arg9[%swap3A_297, %swap3A_298] {strides = array<i32>} : memref<512x64xf32, #tpu.memory_space<vmem>>, vector<16xf32>,
        tpu.vector_store %arg9[%swap3A_297, %swap3A_298], %get3A_268 {strides = array<i32>} : memref<512x64xf32, #tpu.memory_space<vmem>>, vector<16xf32>,
        %swap3A_300 = arith.index_cast %add3A_262 : i32 to index
        %swap3A_301 = arith.constant 16 : index
        %swap3A_302 = tpu.vector_load %arg9[%swap3A_300, %swap3A_301] {strides = array<i32>} : memref<512x64xf32, #tpu.memory_space<vmem>>, vector<16xf32>,
        tpu.vector_store %arg9[%swap3A_300, %swap3A_301], %get3A_272 {strides = array<i32>} : memref<512x64xf32, #tpu.memory_space<vmem>>, vector<16xf32>,
        %swap3A_303 = arith.index_cast %add3A_262 : i32 to index
        %swap3A_304 = arith.constant 32 : index
        %swap3A_305 = tpu.vector_load %arg9[%swap3A_303, %swap3A_304] {strides = array<i32>} : memref<512x64xf32, #tpu.memory_space<vmem>>, vector<16xf32>,
        tpu.vector_store %arg9[%swap3A_303, %swap3A_304], %get3A_276 {strides = array<i32>} : memref<512x64xf32, #tpu.memory_space<vmem>>, vector<16xf32>,
        %swap3A_306 = arith.index_cast %add3A_262 : i32 to index
        %swap3A_307 = arith.constant 48 : index
        %swap3A_308 = tpu.vector_load %arg9[%swap3A_306, %swap3A_307] {strides = array<i32>} : memref<512x64xf32, #tpu.memory_space<vmem>>, vector<16xf32>,
        tpu.vector_store %arg9[%swap3A_306, %swap3A_307], %get3A_280 {strides = array<i32>} : memref<512x64xf32, #tpu.memory_space<vmem>>, vector<16xf32>,
        %swap3A_309 = arith.index_cast %add3A_264 : i32 to index
        %swap3A_310 = arith.constant 0 : index
        %swap3A_311 = tpu.vector_load %arg9[%swap3A_309, %swap3A_310] {strides = array<i32>} : memref<512x64xf32, #tpu.memory_space<vmem>>, vector<16xf32>,
        tpu.vector_store %arg9[%swap3A_309, %swap3A_310], %get3A_284 {strides = array<i32>} : memref<512x64xf32, #tpu.memory_space<vmem>>, vector<16xf32>,
        %swap3A_312 = arith.index_cast %add3A_264 : i32 to index
        %swap3A_313 = arith.constant 16 : index
        %swap3A_314 = tpu.vector_load %arg9[%swap3A_312, %swap3A_313] {strides = array<i32>} : memref<512x64xf32, #tpu.memory_space<vmem>>, vector<16xf32>,
        tpu.vector_store %arg9[%swap3A_312, %swap3A_313], %get3A_288 {strides = array<i32>} : memref<512x64xf32, #tpu.memory_space<vmem>>, vector<16xf32>,
        %swap3A_315 = arith.index_cast %add3A_264 : i32 to index
        %swap3A_316 = arith.constant 32 : index
        %swap3A_317 = tpu.vector_load %arg9[%swap3A_315, %swap3A_316] {strides = array<i32>} : memref<512x64xf32, #tpu.memory_space<vmem>>, vector<16xf32>,
        tpu.vector_store %arg9[%swap3A_315, %swap3A_316], %get3A_292 {strides = array<i32>} : memref<512x64xf32, #tpu.memory_space<vmem>>, vector<16xf32>,
        %swap3A_318 = arith.index_cast %add3A_264 : i32 to index
        %swap3A_319 = arith.constant 48 : index
        %swap3A_320 = tpu.vector_load %arg9[%swap3A_318, %swap3A_319] {strides = array<i32>} : memref<512x64xf32, #tpu.memory_space<vmem>>, vector<16xf32>,
        tpu.vector_store %arg9[%swap3A_318, %swap3A_319], %get3A_296 {strides = array<i32>} : memref<512x64xf32, #tpu.memory_space<vmem>>, vector<16xf32>,
        %slice3A_321 = vector.extract_strided_slice %mul3A_191 {offsets = [4], sizes = [1], strides = [1]} : vector<16xi32> to vector<1xi32>
        %squeeze3A_322 = vector.extract %slice3A_321[0] : i32 from vector<1xi32>
        %slice3A_323 = vector.extract_strided_slice %mul3A_191 {offsets = [5], sizes = [1], strides = [1]} : vector<16xi32> to vector<1xi32>
        %squeeze3A_324 = vector.extract %slice3A_323[0] : i32 from vector<1xi32>
        %mul3A_325 = arith.constant 16 : i32
        %mul3A_326 = arith.muli %scan3A_185, %mul3A_325 : i32
        %add3A_327 = arith.constant 4 : i32
        %add3A_328 = arith.addi %mul3A_326, %add3A_327 : i32
        %add3A_329 = arith.constant 1 : i32
        %add3A_330 = arith.addi %add3A_328, %add3A_329 : i32
        %add3A_331 = arith.constant 0 : i32
        %add3A_332 = arith.addi %squeeze3A_322, %add3A_331 : i32
        %get3A_333 = arith.index_cast %add3A_332 : i32 to index
        %get3A_334 = tpu.vector_load %arg5[%get3A_333] {strides = array<i32>} : memref<16448xf32, #tpu.memory_space<vmem>>, vector<16xf32>,
        %add3A_335 = arith.constant 16 : i32
        %add3A_336 = arith.addi %squeeze3A_322, %add3A_335 : i32
        %get3A_337 = arith.index_cast %add3A_336 : i32 to index
        %get3A_338 = tpu.vector_load %arg5[%get3A_337] {strides = array<i32>} : memref<16448xf32, #tpu.memory_space<vmem>>, vector<16xf32>,
        %add3A_339 = arith.constant 32 : i32
        %add3A_340 = arith.addi %squeeze3A_322, %add3A_339 : i32
        %get3A_341 = arith.index_cast %add3A_340 : i32 to index
        %get3A_342 = tpu.vector_load %arg5[%get3A_341] {strides = array<i32>} : memref<16448xf32, #tpu.memory_space<vmem>>, vector<16xf32>,
        %add3A_343 = arith.constant 48 : i32
        %add3A_344 = arith.addi %squeeze3A_322, %add3A_343 : i32
        %get3A_345 = arith.index_cast %add3A_344 : i32 to index
        %get3A_346 = tpu.vector_load %arg5[%get3A_345] {strides = array<i32>} : memref<16448xf32, #tpu.memory_space<vmem>>, vector<16xf32>,
        %add3A_347 = arith.constant 0 : i32
        %add3A_348 = arith.addi %squeeze3A_324, %add3A_347 : i32
        %get3A_349 = arith.index_cast %add3A_348 : i32 to index
        %get3A_350 = tpu.vector_load %arg5[%get3A_349] {strides = array<i32>} : memref<16448xf32, #tpu.memory_space<vmem>>, vector<16xf32>,
        %add3A_351 = arith.constant 16 : i32
        %add3A_352 = arith.addi %squeeze3A_324, %add3A_351 : i32
        %get3A_353 = arith.index_cast %add3A_352 : i32 to index
        %get3A_354 = tpu.vector_load %arg5[%get3A_353] {strides = array<i32>} : memref<16448xf32, #tpu.memory_space<vmem>>, vector<16xf32>,
        %add3A_355 = arith.constant 32 : i32
        %add3A_356 = arith.addi %squeeze3A_324, %add3A_355 : i32
        %get3A_357 = arith.index_cast %add3A_356 : i32 to index
        %get3A_358 = tpu.vector_load %arg5[%get3A_357] {strides = array<i32>} : memref<16448xf32, #tpu.memory_space<vmem>>, vector<16xf32>,
        %add3A_359 = arith.constant 48 : i32
        %add3A_360 = arith.addi %squeeze3A_324, %add3A_359 : i32
        %get3A_361 = arith.index_cast %add3A_360 : i32 to index
        %get3A_362 = tpu.vector_load %arg5[%get3A_361] {strides = array<i32>} : memref<16448xf32, #tpu.memory_space<vmem>>, vector<16xf32>,
        %swap3A_363 = arith.index_cast %add3A_328 : i32 to index
        %swap3A_364 = arith.constant 0 : index
        %swap3A_365 = tpu.vector_load %arg9[%swap3A_363, %swap3A_364] {strides = array<i32>} : memref<512x64xf32, #tpu.memory_space<vmem>>, vector<16xf32>,
        tpu.vector_store %arg9[%swap3A_363, %swap3A_364], %get3A_334 {strides = array<i32>} : memref<512x64xf32, #tpu.memory_space<vmem>>, vector<16xf32>,
        %swap3A_366 = arith.index_cast %add3A_328 : i32 to index
        %swap3A_367 = arith.constant 16 : index
        %swap3A_368 = tpu.vector_load %arg9[%swap3A_366, %swap3A_367] {strides = array<i32>} : memref<512x64xf32, #tpu.memory_space<vmem>>, vector<16xf32>,
        tpu.vector_store %arg9[%swap3A_366, %swap3A_367], %get3A_338 {strides = array<i32>} : memref<512x64xf32, #tpu.memory_space<vmem>>, vector<16xf32>,
        %swap3A_369 = arith.index_cast %add3A_328 : i32 to index
        %swap3A_370 = arith.constant 32 : index
        %swap3A_371 = tpu.vector_load %arg9[%swap3A_369, %swap3A_370] {strides = array<i32>} : memref<512x64xf32, #tpu.memory_space<vmem>>, vector<16xf32>,
        tpu.vector_store %arg9[%swap3A_369, %swap3A_370], %get3A_342 {strides = array<i32>} : memref<512x64xf32, #tpu.memory_space<vmem>>, vector<16xf32>,
        %swap3A_372 = arith.index_cast %add3A_328 : i32 to index
        %swap3A_373 = arith.constant 48 : index
        %swap3A_374 = tpu.vector_load %arg9[%swap3A_372, %swap3A_373] {strides = array<i32>} : memref<512x64xf32, #tpu.memory_space<vmem>>, vector<16xf32>,
        tpu.vector_store %arg9[%swap3A_372, %swap3A_373], %get3A_346 {strides = array<i32>} : memref<512x64xf32, #tpu.memory_space<vmem>>, vector<16xf32>,
        %swap3A_375 = arith.index_cast %add3A_330 : i32 to index
        %swap3A_376 = arith.constant 0 : index
        %swap3A_377 = tpu.vector_load %arg9[%swap3A_375, %swap3A_376] {strides = array<i32>} : memref<512x64xf32, #tpu.memory_space<vmem>>, vector<16xf32>,
        tpu.vector_store %arg9[%swap3A_375, %swap3A_376], %get3A_350 {strides = array<i32>} : memref<512x64xf32, #tpu.memory_space<vmem>>, vector<16xf32>,
        %swap3A_378 = arith.index_cast %add3A_330 : i32 to index
        %swap3A_379 = arith.constant 16 : index
        %swap3A_380 = tpu.vector_load %arg9[%swap3A_378, %swap3A_379] {strides = array<i32>} : memref<512x64xf32, #tpu.memory_space<vmem>>, vector<16xf32>,
        tpu.vector_store %arg9[%swap3A_378, %swap3A_379], %get3A_354 {strides = array<i32>} : memref<512x64xf32, #tpu.memory_space<vmem>>, vector<16xf32>,
        %swap3A_381 = arith.index_cast %add3A_330 : i32 to index
        %swap3A_382 = arith.constant 32 : index
        %swap3A_383 = tpu.vector_load %arg9[%swap3A_381, %swap3A_382] {strides = array<i32>} : memref<512x64xf32, #tpu.memory_space<vmem>>, vector<16xf32>,
        tpu.vector_store %arg9[%swap3A_381, %swap3A_382], %get3A_358 {strides = array<i32>} : memref<512x64xf32, #tpu.memory_space<vmem>>, vector<16xf32>,
        %swap3A_384 = arith.index_cast %add3A_330 : i32 to index
        %swap3A_385 = arith.constant 48 : index
        %swap3A_386 = tpu.vector_load %arg9[%swap3A_384, %swap3A_385] {strides = array<i32>} : memref<512x64xf32, #tpu.memory_space<vmem>>, vector<16xf32>,
        tpu.vector_store %arg9[%swap3A_384, %swap3A_385], %get3A_362 {strides = array<i32>} : memref<512x64xf32, #tpu.memory_space<vmem>>, vector<16xf32>,
        %slice3A_387 = vector.extract_strided_slice %mul3A_191 {offsets = [6], sizes = [1], strides = [1]} : vector<16xi32> to vector<1xi32>
        %squeeze3A_388 = vector.extract %slice3A_387[0] : i32 from vector<1xi32>
        %slice3A_389 = vector.extract_strided_slice %mul3A_191 {offsets = [7], sizes = [1], strides = [1]} : vector<16xi32> to vector<1xi32>
        %squeeze3A_390 = vector.extract %slice3A_389[0] : i32 from vector<1xi32>
        %mul3A_391 = arith.constant 16 : i32
        %mul3A_392 = arith.muli %scan3A_185, %mul3A_391 : i32
        %add3A_393 = arith.constant 6 : i32
        %add3A_394 = arith.addi %mul3A_392, %add3A_393 : i32
        %add3A_395 = arith.constant 1 : i32
        %add3A_396 = arith.addi %add3A_394, %add3A_395 : i32
        %add3A_397 = arith.constant 0 : i32
        %add3A_398 = arith.addi %squeeze3A_388, %add3A_397 : i32
        %get3A_399 = arith.index_cast %add3A_398 : i32 to index
        %get3A_400 = tpu.vector_load %arg5[%get3A_399] {strides = array<i32>} : memref<16448xf32, #tpu.memory_space<vmem>>, vector<16xf32>,
        %add3A_401 = arith.constant 16 : i32
        %add3A_402 = arith.addi %squeeze3A_388, %add3A_401 : i32
        %get3A_403 = arith.index_cast %add3A_402 : i32 to index
        %get3A_404 = tpu.vector_load %arg5[%get3A_403] {strides = array<i32>} : memref<16448xf32, #tpu.memory_space<vmem>>, vector<16xf32>,
        %add3A_405 = arith.constant 32 : i32
        %add3A_406 = arith.addi %squeeze3A_388, %add3A_405 : i32
        %get3A_407 = arith.index_cast %add3A_406 : i32 to index
        %get3A_408 = tpu.vector_load %arg5[%get3A_407] {strides = array<i32>} : memref<16448xf32, #tpu.memory_space<vmem>>, vector<16xf32>,
        %add3A_409 = arith.constant 48 : i32
        %add3A_410 = arith.addi %squeeze3A_388, %add3A_409 : i32
        %get3A_411 = arith.index_cast %add3A_410 : i32 to index
        %get3A_412 = tpu.vector_load %arg5[%get3A_411] {strides = array<i32>} : memref<16448xf32, #tpu.memory_space<vmem>>, vector<16xf32>,
        %add3A_413 = arith.constant 0 : i32
        %add3A_414 = arith.addi %squeeze3A_390, %add3A_413 : i32
        %get3A_415 = arith.index_cast %add3A_414 : i32 to index
        %get3A_416 = tpu.vector_load %arg5[%get3A_415] {strides = array<i32>} : memref<16448xf32, #tpu.memory_space<vmem>>, vector<16xf32>,
        %add3A_417 = arith.constant 16 : i32
        %add3A_418 = arith.addi %squeeze3A_390, %add3A_417 : i32
        %get3A_419 = arith.index_cast %add3A_418 : i32 to index
        %get3A_420 = tpu.vector_load %arg5[%get3A_419] {strides = array<i32>} : memref<16448xf32, #tpu.memory_space<vmem>>, vector<16xf32>,
        %add3A_421 = arith.constant 32 : i32
        %add3A_422 = arith.addi %squeeze3A_390, %add3A_421 : i32
        %get3A_423 = arith.index_cast %add3A_422 : i32 to index
        %get3A_424 = tpu.vector_load %arg5[%get3A_423] {strides = array<i32>} : memref<16448xf32, #tpu.memory_space<vmem>>, vector<16xf32>,
        %add3A_425 = arith.constant 48 : i32
        %add3A_426 = arith.addi %squeeze3A_390, %add3A_425 : i32
        %get3A_427 = arith.index_cast %add3A_426 : i32 to index
        %get3A_428 = tpu.vector_load %arg5[%get3A_427] {strides = array<i32>} : memref<16448xf32, #tpu.memory_space<vmem>>, vector<16xf32>,
        %swap3A_429 = arith.index_cast %add3A_394 : i32 to index
        %swap3A_430 = arith.constant 0 : index
        %swap3A_431 = tpu.vector_load %arg9[%swap3A_429, %swap3A_430] {strides = array<i32>} : memref<512x64xf32, #tpu.memory_space<vmem>>, vector<16xf32>,
        tpu.vector_store %arg9[%swap3A_429, %swap3A_430], %get3A_400 {strides = array<i32>} : memref<512x64xf32, #tpu.memory_space<vmem>>, vector<16xf32>,
        %swap3A_432 = arith.index_cast %add3A_394 : i32 to index
        %swap3A_433 = arith.constant 16 : index
        %swap3A_434 = tpu.vector_load %arg9[%swap3A_432, %swap3A_433] {strides = array<i32>} : memref<512x64xf32, #tpu.memory_space<vmem>>, vector<16xf32>,
        tpu.vector_store %arg9[%swap3A_432, %swap3A_433], %get3A_404 {strides = array<i32>} : memref<512x64xf32, #tpu.memory_space<vmem>>, vector<16xf32>,
        %swap3A_435 = arith.index_cast %add3A_394 : i32 to index
        %swap3A_436 = arith.constant 32 : index
        %swap3A_437 = tpu.vector_load %arg9[%swap3A_435, %swap3A_436] {strides = array<i32>} : memref<512x64xf32, #tpu.memory_space<vmem>>, vector<16xf32>,
        tpu.vector_store %arg9[%swap3A_435, %swap3A_436], %get3A_408 {strides = array<i32>} : memref<512x64xf32, #tpu.memory_space<vmem>>, vector<16xf32>,
        %swap3A_438 = arith.index_cast %add3A_394 : i32 to index
        %swap3A_439 = arith.constant 48 : index
        %swap3A_440 = tpu.vector_load %arg9[%swap3A_438, %swap3A_439] {strides = array<i32>} : memref<512x64xf32, #tpu.memory_space<vmem>>, vector<16xf32>,
        tpu.vector_store %arg9[%swap3A_438, %swap3A_439], %get3A_412 {strides = array<i32>} : memref<512x64xf32, #tpu.memory_space<vmem>>, vector<16xf32>,
        %swap3A_441 = arith.index_cast %add3A_396 : i32 to index
        %swap3A_442 = arith.constant 0 : index
        %swap3A_443 = tpu.vector_load %arg9[%swap3A_441, %swap3A_442] {strides = array<i32>} : memref<512x64xf32, #tpu.memory_space<vmem>>, vector<16xf32>,
        tpu.vector_store %arg9[%swap3A_441, %swap3A_442], %get3A_416 {strides = array<i32>} : memref<512x64xf32, #tpu.memory_space<vmem>>, vector<16xf32>,
        %swap3A_444 = arith.index_cast %add3A_396 : i32 to index
        %swap3A_445 = arith.constant 16 : index
        %swap3A_446 = tpu.vector_load %arg9[%swap3A_444, %swap3A_445] {strides = array<i32>} : memref<512x64xf32, #tpu.memory_space<vmem>>, vector<16xf32>,
        tpu.vector_store %arg9[%swap3A_444, %swap3A_445], %get3A_420 {strides = array<i32>} : memref<512x64xf32, #tpu.memory_space<vmem>>, vector<16xf32>,
        %swap3A_447 = arith.index_cast %add3A_396 : i32 to index
        %swap3A_448 = arith.constant 32 : index
        %swap3A_449 = tpu.vector_load %arg9[%swap3A_447, %swap3A_448] {strides = array<i32>} : memref<512x64xf32, #tpu.memory_space<vmem>>, vector<16xf32>,
        tpu.vector_store %arg9[%swap3A_447, %swap3A_448], %get3A_424 {strides = array<i32>} : memref<512x64xf32, #tpu.memory_space<vmem>>, vector<16xf32>,
        %swap3A_450 = arith.index_cast %add3A_396 : i32 to index
        %swap3A_451 = arith.constant 48 : index
        %swap3A_452 = tpu.vector_load %arg9[%swap3A_450, %swap3A_451] {strides = array<i32>} : memref<512x64xf32, #tpu.memory_space<vmem>>, vector<16xf32>,
        tpu.vector_store %arg9[%swap3A_450, %swap3A_451], %get3A_428 {strides = array<i32>} : memref<512x64xf32, #tpu.memory_space<vmem>>, vector<16xf32>,
        %slice3A_453 = vector.extract_strided_slice %mul3A_191 {offsets = [8], sizes = [1], strides = [1]} : vector<16xi32> to vector<1xi32>
        %squeeze3A_454 = vector.extract %slice3A_453[0] : i32 from vector<1xi32>
        %slice3A_455 = vector.extract_strided_slice %mul3A_191 {offsets = [9], sizes = [1], strides = [1]} : vector<16xi32> to vector<1xi32>
        %squeeze3A_456 = vector.extract %slice3A_455[0] : i32 from vector<1xi32>
        %mul3A_457 = arith.constant 16 : i32
        %mul3A_458 = arith.muli %scan3A_185, %mul3A_457 : i32
        %add3A_459 = arith.constant 8 : i32
        %add3A_460 = arith.addi %mul3A_458, %add3A_459 : i32
        %add3A_461 = arith.constant 1 : i32
        %add3A_462 = arith.addi %add3A_460, %add3A_461 : i32
        %add3A_463 = arith.constant 0 : i32
        %add3A_464 = arith.addi %squeeze3A_454, %add3A_463 : i32
        %get3A_465 = arith.index_cast %add3A_464 : i32 to index
        %get3A_466 = tpu.vector_load %arg5[%get3A_465] {strides = array<i32>} : memref<16448xf32, #tpu.memory_space<vmem>>, vector<16xf32>,
        %add3A_467 = arith.constant 16 : i32
        %add3A_468 = arith.addi %squeeze3A_454, %add3A_467 : i32
        %get3A_469 = arith.index_cast %add3A_468 : i32 to index
        %get3A_470 = tpu.vector_load %arg5[%get3A_469] {strides = array<i32>} : memref<16448xf32, #tpu.memory_space<vmem>>, vector<16xf32>,
        %add3A_471 = arith.constant 32 : i32
        %add3A_472 = arith.addi %squeeze3A_454, %add3A_471 : i32
        %get3A_473 = arith.index_cast %add3A_472 : i32 to index
        %get3A_474 = tpu.vector_load %arg5[%get3A_473] {strides = array<i32>} : memref<16448xf32, #tpu.memory_space<vmem>>, vector<16xf32>,
        %add3A_475 = arith.constant 48 : i32
        %add3A_476 = arith.addi %squeeze3A_454, %add3A_475 : i32
        %get3A_477 = arith.index_cast %add3A_476 : i32 to index
        %get3A_478 = tpu.vector_load %arg5[%get3A_477] {strides = array<i32>} : memref<16448xf32, #tpu.memory_space<vmem>>, vector<16xf32>,
        %add3A_479 = arith.constant 0 : i32
        %add3A_480 = arith.addi %squeeze3A_456, %add3A_479 : i32
        %get3A_481 = arith.index_cast %add3A_480 : i32 to index
        %get3A_482 = tpu.vector_load %arg5[%get3A_481] {strides = array<i32>} : memref<16448xf32, #tpu.memory_space<vmem>>, vector<16xf32>,
        %add3A_483 = arith.constant 16 : i32
        %add3A_484 = arith.addi %squeeze3A_456, %add3A_483 : i32
        %get3A_485 = arith.index_cast %add3A_484 : i32 to index
        %get3A_486 = tpu.vector_load %arg5[%get3A_485] {strides = array<i32>} : memref<16448xf32, #tpu.memory_space<vmem>>, vector<16xf32>,
        %add3A_487 = arith.constant 32 : i32
        %add3A_488 = arith.addi %squeeze3A_456, %add3A_487 : i32
        %get3A_489 = arith.index_cast %add3A_488 : i32 to index
        %get3A_490 = tpu.vector_load %arg5[%get3A_489] {strides = array<i32>} : memref<16448xf32, #tpu.memory_space<vmem>>, vector<16xf32>,
        %add3A_491 = arith.constant 48 : i32
        %add3A_492 = arith.addi %squeeze3A_456, %add3A_491 : i32
        %get3A_493 = arith.index_cast %add3A_492 : i32 to index
        %get3A_494 = tpu.vector_load %arg5[%get3A_493] {strides = array<i32>} : memref<16448xf32, #tpu.memory_space<vmem>>, vector<16xf32>,
        %swap3A_495 = arith.index_cast %add3A_460 : i32 to index
        %swap3A_496 = arith.constant 0 : index
        %swap3A_497 = tpu.vector_load %arg9[%swap3A_495, %swap3A_496] {strides = array<i32>} : memref<512x64xf32, #tpu.memory_space<vmem>>, vector<16xf32>,
        tpu.vector_store %arg9[%swap3A_495, %swap3A_496], %get3A_466 {strides = array<i32>} : memref<512x64xf32, #tpu.memory_space<vmem>>, vector<16xf32>,
        %swap3A_498 = arith.index_cast %add3A_460 : i32 to index
        %swap3A_499 = arith.constant 16 : index
        %swap3A_500 = tpu.vector_load %arg9[%swap3A_498, %swap3A_499] {strides = array<i32>} : memref<512x64xf32, #tpu.memory_space<vmem>>, vector<16xf32>,
        tpu.vector_store %arg9[%swap3A_498, %swap3A_499], %get3A_470 {strides = array<i32>} : memref<512x64xf32, #tpu.memory_space<vmem>>, vector<16xf32>,
        %swap3A_501 = arith.index_cast %add3A_460 : i32 to index
        %swap3A_502 = arith.constant 32 : index
        %swap3A_503 = tpu.vector_load %arg9[%swap3A_501, %swap3A_502] {strides = array<i32>} : memref<512x64xf32, #tpu.memory_space<vmem>>, vector<16xf32>,
        tpu.vector_store %arg9[%swap3A_501, %swap3A_502], %get3A_474 {strides = array<i32>} : memref<512x64xf32, #tpu.memory_space<vmem>>, vector<16xf32>,
        %swap3A_504 = arith.index_cast %add3A_460 : i32 to index
        %swap3A_505 = arith.constant 48 : index
        %swap3A_506 = tpu.vector_load %arg9[%swap3A_504, %swap3A_505] {strides = array<i32>} : memref<512x64xf32, #tpu.memory_space<vmem>>, vector<16xf32>,
        tpu.vector_store %arg9[%swap3A_504, %swap3A_505], %get3A_478 {strides = array<i32>} : memref<512x64xf32, #tpu.memory_space<vmem>>, vector<16xf32>,
        %swap3A_507 = arith.index_cast %add3A_462 : i32 to index
        %swap3A_508 = arith.constant 0 : index
        %swap3A_509 = tpu.vector_load %arg9[%swap3A_507, %swap3A_508] {strides = array<i32>} : memref<512x64xf32, #tpu.memory_space<vmem>>, vector<16xf32>,
        tpu.vector_store %arg9[%swap3A_507, %swap3A_508], %get3A_482 {strides = array<i32>} : memref<512x64xf32, #tpu.memory_space<vmem>>, vector<16xf32>,
        %swap3A_510 = arith.index_cast %add3A_462 : i32 to index
        %swap3A_511 = arith.constant 16 : index
        %swap3A_512 = tpu.vector_load %arg9[%swap3A_510, %swap3A_511] {strides = array<i32>} : memref<512x64xf32, #tpu.memory_space<vmem>>, vector<16xf32>,
        tpu.vector_store %arg9[%swap3A_510, %swap3A_511], %get3A_486 {strides = array<i32>} : memref<512x64xf32, #tpu.memory_space<vmem>>, vector<16xf32>,
        %swap3A_513 = arith.index_cast %add3A_462 : i32 to index
        %swap3A_514 = arith.constant 32 : index
        %swap3A_515 = tpu.vector_load %arg9[%swap3A_513, %swap3A_514] {strides = array<i32>} : memref<512x64xf32, #tpu.memory_space<vmem>>, vector<16xf32>,
        tpu.vector_store %arg9[%swap3A_513, %swap3A_514], %get3A_490 {strides = array<i32>} : memref<512x64xf32, #tpu.memory_space<vmem>>, vector<16xf32>,
        %swap3A_516 = arith.index_cast %add3A_462 : i32 to index
        %swap3A_517 = arith.constant 48 : index
        %swap3A_518 = tpu.vector_load %arg9[%swap3A_516, %swap3A_517] {strides = array<i32>} : memref<512x64xf32, #tpu.memory_space<vmem>>, vector<16xf32>,
        tpu.vector_store %arg9[%swap3A_516, %swap3A_517], %get3A_494 {strides = array<i32>} : memref<512x64xf32, #tpu.memory_space<vmem>>, vector<16xf32>,
        %slice3A_519 = vector.extract_strided_slice %mul3A_191 {offsets = [10], sizes = [1], strides = [1]} : vector<16xi32> to vector<1xi32>
        %squeeze3A_520 = vector.extract %slice3A_519[0] : i32 from vector<1xi32>
        %slice3A_521 = vector.extract_strided_slice %mul3A_191 {offsets = [11], sizes = [1], strides = [1]} : vector<16xi32> to vector<1xi32>
        %squeeze3A_522 = vector.extract %slice3A_521[0] : i32 from vector<1xi32>
        %mul3A_523 = arith.constant 16 : i32
        %mul3A_524 = arith.muli %scan3A_185, %mul3A_523 : i32
        %add3A_525 = arith.constant 10 : i32
        %add3A_526 = arith.addi %mul3A_524, %add3A_525 : i32
        %add3A_527 = arith.constant 1 : i32
        %add3A_528 = arith.addi %add3A_526, %add3A_527 : i32
        %add3A_529 = arith.constant 0 : i32
        %add3A_530 = arith.addi %squeeze3A_520, %add3A_529 : i32
        %get3A_531 = arith.index_cast %add3A_530 : i32 to index
        %get3A_532 = tpu.vector_load %arg5[%get3A_531] {strides = array<i32>} : memref<16448xf32, #tpu.memory_space<vmem>>, vector<16xf32>,
        %add3A_533 = arith.constant 16 : i32
        %add3A_534 = arith.addi %squeeze3A_520, %add3A_533 : i32
        %get3A_535 = arith.index_cast %add3A_534 : i32 to index
        %get3A_536 = tpu.vector_load %arg5[%get3A_535] {strides = array<i32>} : memref<16448xf32, #tpu.memory_space<vmem>>, vector<16xf32>,
        %add3A_537 = arith.constant 32 : i32
        %add3A_538 = arith.addi %squeeze3A_520, %add3A_537 : i32
        %get3A_539 = arith.index_cast %add3A_538 : i32 to index
        %get3A_540 = tpu.vector_load %arg5[%get3A_539] {strides = array<i32>} : memref<16448xf32, #tpu.memory_space<vmem>>, vector<16xf32>,
        %add3A_541 = arith.constant 48 : i32
        %add3A_542 = arith.addi %squeeze3A_520, %add3A_541 : i32
        %get3A_543 = arith.index_cast %add3A_542 : i32 to index
        %get3A_544 = tpu.vector_load %arg5[%get3A_543] {strides = array<i32>} : memref<16448xf32, #tpu.memory_space<vmem>>, vector<16xf32>,
        %add3A_545 = arith.constant 0 : i32
        %add3A_546 = arith.addi %squeeze3A_522, %add3A_545 : i32
        %get3A_547 = arith.index_cast %add3A_546 : i32 to index
        %get3A_548 = tpu.vector_load %arg5[%get3A_547] {strides = array<i32>} : memref<16448xf32, #tpu.memory_space<vmem>>, vector<16xf32>,
        %add3A_549 = arith.constant 16 : i32
        %add3A_550 = arith.addi %squeeze3A_522, %add3A_549 : i32
        %get3A_551 = arith.index_cast %add3A_550 : i32 to index
        %get3A_552 = tpu.vector_load %arg5[%get3A_551] {strides = array<i32>} : memref<16448xf32, #tpu.memory_space<vmem>>, vector<16xf32>,
        %add3A_553 = arith.constant 32 : i32
        %add3A_554 = arith.addi %squeeze3A_522, %add3A_553 : i32
        %get3A_555 = arith.index_cast %add3A_554 : i32 to index
        %get3A_556 = tpu.vector_load %arg5[%get3A_555] {strides = array<i32>} : memref<16448xf32, #tpu.memory_space<vmem>>, vector<16xf32>,
        %add3A_557 = arith.constant 48 : i32
        %add3A_558 = arith.addi %squeeze3A_522, %add3A_557 : i32
        %get3A_559 = arith.index_cast %add3A_558 : i32 to index
        %get3A_560 = tpu.vector_load %arg5[%get3A_559] {strides = array<i32>} : memref<16448xf32, #tpu.memory_space<vmem>>, vector<16xf32>,
        %swap3A_561 = arith.index_cast %add3A_526 : i32 to index
        %swap3A_562 = arith.constant 0 : index
        %swap3A_563 = tpu.vector_load %arg9[%swap3A_561, %swap3A_562] {strides = array<i32>} : memref<512x64xf32, #tpu.memory_space<vmem>>, vector<16xf32>,
        tpu.vector_store %arg9[%swap3A_561, %swap3A_562], %get3A_532 {strides = array<i32>} : memref<512x64xf32, #tpu.memory_space<vmem>>, vector<16xf32>,
        %swap3A_564 = arith.index_cast %add3A_526 : i32 to index
        %swap3A_565 = arith.constant 16 : index
        %swap3A_566 = tpu.vector_load %arg9[%swap3A_564, %swap3A_565] {strides = array<i32>} : memref<512x64xf32, #tpu.memory_space<vmem>>, vector<16xf32>,
        tpu.vector_store %arg9[%swap3A_564, %swap3A_565], %get3A_536 {strides = array<i32>} : memref<512x64xf32, #tpu.memory_space<vmem>>, vector<16xf32>,
        %swap3A_567 = arith.index_cast %add3A_526 : i32 to index
        %swap3A_568 = arith.constant 32 : index
        %swap3A_569 = tpu.vector_load %arg9[%swap3A_567, %swap3A_568] {strides = array<i32>} : memref<512x64xf32, #tpu.memory_space<vmem>>, vector<16xf32>,
        tpu.vector_store %arg9[%swap3A_567, %swap3A_568], %get3A_540 {strides = array<i32>} : memref<512x64xf32, #tpu.memory_space<vmem>>, vector<16xf32>,
        %swap3A_570 = arith.index_cast %add3A_526 : i32 to index
        %swap3A_571 = arith.constant 48 : index
        %swap3A_572 = tpu.vector_load %arg9[%swap3A_570, %swap3A_571] {strides = array<i32>} : memref<512x64xf32, #tpu.memory_space<vmem>>, vector<16xf32>,
        tpu.vector_store %arg9[%swap3A_570, %swap3A_571], %get3A_544 {strides = array<i32>} : memref<512x64xf32, #tpu.memory_space<vmem>>, vector<16xf32>,
        %swap3A_573 = arith.index_cast %add3A_528 : i32 to index
        %swap3A_574 = arith.constant 0 : index
        %swap3A_575 = tpu.vector_load %arg9[%swap3A_573, %swap3A_574] {strides = array<i32>} : memref<512x64xf32, #tpu.memory_space<vmem>>, vector<16xf32>,
        tpu.vector_store %arg9[%swap3A_573, %swap3A_574], %get3A_548 {strides = array<i32>} : memref<512x64xf32, #tpu.memory_space<vmem>>, vector<16xf32>,
        %swap3A_576 = arith.index_cast %add3A_528 : i32 to index
        %swap3A_577 = arith.constant 16 : index
        %swap3A_578 = tpu.vector_load %arg9[%swap3A_576, %swap3A_577] {strides = array<i32>} : memref<512x64xf32, #tpu.memory_space<vmem>>, vector<16xf32>,
        tpu.vector_store %arg9[%swap3A_576, %swap3A_577], %get3A_552 {strides = array<i32>} : memref<512x64xf32, #tpu.memory_space<vmem>>, vector<16xf32>,
        %swap3A_579 = arith.index_cast %add3A_528 : i32 to index
        %swap3A_580 = arith.constant 32 : index
        %swap3A_581 = tpu.vector_load %arg9[%swap3A_579, %swap3A_580] {strides = array<i32>} : memref<512x64xf32, #tpu.memory_space<vmem>>, vector<16xf32>,
        tpu.vector_store %arg9[%swap3A_579, %swap3A_580], %get3A_556 {strides = array<i32>} : memref<512x64xf32, #tpu.memory_space<vmem>>, vector<16xf32>,
        %swap3A_582 = arith.index_cast %add3A_528 : i32 to index
        %swap3A_583 = arith.constant 48 : index
        %swap3A_584 = tpu.vector_load %arg9[%swap3A_582, %swap3A_583] {strides = array<i32>} : memref<512x64xf32, #tpu.memory_space<vmem>>, vector<16xf32>,
        tpu.vector_store %arg9[%swap3A_582, %swap3A_583], %get3A_560 {strides = array<i32>} : memref<512x64xf32, #tpu.memory_space<vmem>>, vector<16xf32>,
        %slice3A_585 = vector.extract_strided_slice %mul3A_191 {offsets = [12], sizes = [1], strides = [1]} : vector<16xi32> to vector<1xi32>
        %squeeze3A_586 = vector.extract %slice3A_585[0] : i32 from vector<1xi32>
        %slice3A_587 = vector.extract_strided_slice %mul3A_191 {offsets = [13], sizes = [1], strides = [1]} : vector<16xi32> to vector<1xi32>
        %squeeze3A_588 = vector.extract %slice3A_587[0] : i32 from vector<1xi32>
        %mul3A_589 = arith.constant 16 : i32
        %mul3A_590 = arith.muli %scan3A_185, %mul3A_589 : i32
        %add3A_591 = arith.constant 12 : i32
        %add3A_592 = arith.addi %mul3A_590, %add3A_591 : i32
        %add3A_593 = arith.constant 1 : i32
        %add3A_594 = arith.addi %add3A_592, %add3A_593 : i32
        %add3A_595 = arith.constant 0 : i32
        %add3A_596 = arith.addi %squeeze3A_586, %add3A_595 : i32
        %get3A_597 = arith.index_cast %add3A_596 : i32 to index
        %get3A_598 = tpu.vector_load %arg5[%get3A_597] {strides = array<i32>} : memref<16448xf32, #tpu.memory_space<vmem>>, vector<16xf32>,
        %add3A_599 = arith.constant 16 : i32
        %add3A_600 = arith.addi %squeeze3A_586, %add3A_599 : i32
        %get3A_601 = arith.index_cast %add3A_600 : i32 to index
        %get3A_602 = tpu.vector_load %arg5[%get3A_601] {strides = array<i32>} : memref<16448xf32, #tpu.memory_space<vmem>>, vector<16xf32>,
        %add3A_603 = arith.constant 32 : i32
        %add3A_604 = arith.addi %squeeze3A_586, %add3A_603 : i32
        %get3A_605 = arith.index_cast %add3A_604 : i32 to index
        %get3A_606 = tpu.vector_load %arg5[%get3A_605] {strides = array<i32>} : memref<16448xf32, #tpu.memory_space<vmem>>, vector<16xf32>,
        %add3A_607 = arith.constant 48 : i32
        %add3A_608 = arith.addi %squeeze3A_586, %add3A_607 : i32
        %get3A_609 = arith.index_cast %add3A_608 : i32 to index
        %get3A_610 = tpu.vector_load %arg5[%get3A_609] {strides = array<i32>} : memref<16448xf32, #tpu.memory_space<vmem>>, vector<16xf32>,
        %add3A_611 = arith.constant 0 : i32
        %add3A_612 = arith.addi %squeeze3A_588, %add3A_611 : i32
        %get3A_613 = arith.index_cast %add3A_612 : i32 to index
        %get3A_614 = tpu.vector_load %arg5[%get3A_613] {strides = array<i32>} : memref<16448xf32, #tpu.memory_space<vmem>>, vector<16xf32>,
        %add3A_615 = arith.constant 16 : i32
        %add3A_616 = arith.addi %squeeze3A_588, %add3A_615 : i32
        %get3A_617 = arith.index_cast %add3A_616 : i32 to index
        %get3A_618 = tpu.vector_load %arg5[%get3A_617] {strides = array<i32>} : memref<16448xf32, #tpu.memory_space<vmem>>, vector<16xf32>,
        %add3A_619 = arith.constant 32 : i32
        %add3A_620 = arith.addi %squeeze3A_588, %add3A_619 : i32
        %get3A_621 = arith.index_cast %add3A_620 : i32 to index
        %get3A_622 = tpu.vector_load %arg5[%get3A_621] {strides = array<i32>} : memref<16448xf32, #tpu.memory_space<vmem>>, vector<16xf32>,
        %add3A_623 = arith.constant 48 : i32
        %add3A_624 = arith.addi %squeeze3A_588, %add3A_623 : i32
        %get3A_625 = arith.index_cast %add3A_624 : i32 to index
        %get3A_626 = tpu.vector_load %arg5[%get3A_625] {strides = array<i32>} : memref<16448xf32, #tpu.memory_space<vmem>>, vector<16xf32>,
        %swap3A_627 = arith.index_cast %add3A_592 : i32 to index
        %swap3A_628 = arith.constant 0 : index
        %swap3A_629 = tpu.vector_load %arg9[%swap3A_627, %swap3A_628] {strides = array<i32>} : memref<512x64xf32, #tpu.memory_space<vmem>>, vector<16xf32>,
        tpu.vector_store %arg9[%swap3A_627, %swap3A_628], %get3A_598 {strides = array<i32>} : memref<512x64xf32, #tpu.memory_space<vmem>>, vector<16xf32>,
        %swap3A_630 = arith.index_cast %add3A_592 : i32 to index
        %swap3A_631 = arith.constant 16 : index
        %swap3A_632 = tpu.vector_load %arg9[%swap3A_630, %swap3A_631] {strides = array<i32>} : memref<512x64xf32, #tpu.memory_space<vmem>>, vector<16xf32>,
        tpu.vector_store %arg9[%swap3A_630, %swap3A_631], %get3A_602 {strides = array<i32>} : memref<512x64xf32, #tpu.memory_space<vmem>>, vector<16xf32>,
        %swap3A_633 = arith.index_cast %add3A_592 : i32 to index
        %swap3A_634 = arith.constant 32 : index
        %swap3A_635 = tpu.vector_load %arg9[%swap3A_633, %swap3A_634] {strides = array<i32>} : memref<512x64xf32, #tpu.memory_space<vmem>>, vector<16xf32>,
        tpu.vector_store %arg9[%swap3A_633, %swap3A_634], %get3A_606 {strides = array<i32>} : memref<512x64xf32, #tpu.memory_space<vmem>>, vector<16xf32>,
        %swap3A_636 = arith.index_cast %add3A_592 : i32 to index
        %swap3A_637 = arith.constant 48 : index
        %swap3A_638 = tpu.vector_load %arg9[%swap3A_636, %swap3A_637] {strides = array<i32>} : memref<512x64xf32, #tpu.memory_space<vmem>>, vector<16xf32>,
        tpu.vector_store %arg9[%swap3A_636, %swap3A_637], %get3A_610 {strides = array<i32>} : memref<512x64xf32, #tpu.memory_space<vmem>>, vector<16xf32>,
        %swap3A_639 = arith.index_cast %add3A_594 : i32 to index
        %swap3A_640 = arith.constant 0 : index
        %swap3A_641 = tpu.vector_load %arg9[%swap3A_639, %swap3A_640] {strides = array<i32>} : memref<512x64xf32, #tpu.memory_space<vmem>>, vector<16xf32>,
        tpu.vector_store %arg9[%swap3A_639, %swap3A_640], %get3A_614 {strides = array<i32>} : memref<512x64xf32, #tpu.memory_space<vmem>>, vector<16xf32>,
        %swap3A_642 = arith.index_cast %add3A_594 : i32 to index
        %swap3A_643 = arith.constant 16 : index
        %swap3A_644 = tpu.vector_load %arg9[%swap3A_642, %swap3A_643] {strides = array<i32>} : memref<512x64xf32, #tpu.memory_space<vmem>>, vector<16xf32>,
        tpu.vector_store %arg9[%swap3A_642, %swap3A_643], %get3A_618 {strides = array<i32>} : memref<512x64xf32, #tpu.memory_space<vmem>>, vector<16xf32>,
        %swap3A_645 = arith.index_cast %add3A_594 : i32 to index
        %swap3A_646 = arith.constant 32 : index
        %swap3A_647 = tpu.vector_load %arg9[%swap3A_645, %swap3A_646] {strides = array<i32>} : memref<512x64xf32, #tpu.memory_space<vmem>>, vector<16xf32>,
        tpu.vector_store %arg9[%swap3A_645, %swap3A_646], %get3A_622 {strides = array<i32>} : memref<512x64xf32, #tpu.memory_space<vmem>>, vector<16xf32>,
        %swap3A_648 = arith.index_cast %add3A_594 : i32 to index
        %swap3A_649 = arith.constant 48 : index
        %swap3A_650 = tpu.vector_load %arg9[%swap3A_648, %swap3A_649] {strides = array<i32>} : memref<512x64xf32, #tpu.memory_space<vmem>>, vector<16xf32>,
        tpu.vector_store %arg9[%swap3A_648, %swap3A_649], %get3A_626 {strides = array<i32>} : memref<512x64xf32, #tpu.memory_space<vmem>>, vector<16xf32>,
        %slice3A_651 = vector.extract_strided_slice %mul3A_191 {offsets = [14], sizes = [1], strides = [1]} : vector<16xi32> to vector<1xi32>
        %squeeze3A_652 = vector.extract %slice3A_651[0] : i32 from vector<1xi32>
        %slice3A_653 = vector.extract_strided_slice %mul3A_191 {offsets = [15], sizes = [1], strides = [1]} : vector<16xi32> to vector<1xi32>
        %squeeze3A_654 = vector.extract %slice3A_653[0] : i32 from vector<1xi32>
        %mul3A_655 = arith.constant 16 : i32
        %mul3A_656 = arith.muli %scan3A_185, %mul3A_655 : i32
        %add3A_657 = arith.constant 14 : i32
        %add3A_658 = arith.addi %mul3A_656, %add3A_657 : i32
        %add3A_659 = arith.constant 1 : i32
        %add3A_660 = arith.addi %add3A_658, %add3A_659 : i32
        %add3A_661 = arith.constant 0 : i32
        %add3A_662 = arith.addi %squeeze3A_652, %add3A_661 : i32
        %get3A_663 = arith.index_cast %add3A_662 : i32 to index
        %get3A_664 = tpu.vector_load %arg5[%get3A_663] {strides = array<i32>} : memref<16448xf32, #tpu.memory_space<vmem>>, vector<16xf32>,
        %add3A_665 = arith.constant 16 : i32
        %add3A_666 = arith.addi %squeeze3A_652, %add3A_665 : i32
        %get3A_667 = arith.index_cast %add3A_666 : i32 to index
        %get3A_668 = tpu.vector_load %arg5[%get3A_667] {strides = array<i32>} : memref<16448xf32, #tpu.memory_space<vmem>>, vector<16xf32>,
        %add3A_669 = arith.constant 32 : i32
        %add3A_670 = arith.addi %squeeze3A_652, %add3A_669 : i32
        %get3A_671 = arith.index_cast %add3A_670 : i32 to index
        %get3A_672 = tpu.vector_load %arg5[%get3A_671] {strides = array<i32>} : memref<16448xf32, #tpu.memory_space<vmem>>, vector<16xf32>,
        %add3A_673 = arith.constant 48 : i32
        %add3A_674 = arith.addi %squeeze3A_652, %add3A_673 : i32
        %get3A_675 = arith.index_cast %add3A_674 : i32 to index
        %get3A_676 = tpu.vector_load %arg5[%get3A_675] {strides = array<i32>} : memref<16448xf32, #tpu.memory_space<vmem>>, vector<16xf32>,
        %add3A_677 = arith.constant 0 : i32
        %add3A_678 = arith.addi %squeeze3A_654, %add3A_677 : i32
        %get3A_679 = arith.index_cast %add3A_678 : i32 to index
        %get3A_680 = tpu.vector_load %arg5[%get3A_679] {strides = array<i32>} : memref<16448xf32, #tpu.memory_space<vmem>>, vector<16xf32>,
        %add3A_681 = arith.constant 16 : i32
        %add3A_682 = arith.addi %squeeze3A_654, %add3A_681 : i32
        %get3A_683 = arith.index_cast %add3A_682 : i32 to index
        %get3A_684 = tpu.vector_load %arg5[%get3A_683] {strides = array<i32>} : memref<16448xf32, #tpu.memory_space<vmem>>, vector<16xf32>,
        %add3A_685 = arith.constant 32 : i32
        %add3A_686 = arith.addi %squeeze3A_654, %add3A_685 : i32
        %get3A_687 = arith.index_cast %add3A_686 : i32 to index
        %get3A_688 = tpu.vector_load %arg5[%get3A_687] {strides = array<i32>} : memref<16448xf32, #tpu.memory_space<vmem>>, vector<16xf32>,
        %add3A_689 = arith.constant 48 : i32
        %add3A_690 = arith.addi %squeeze3A_654, %add3A_689 : i32
        %get3A_691 = arith.index_cast %add3A_690 : i32 to index
        %get3A_692 = tpu.vector_load %arg5[%get3A_691] {strides = array<i32>} : memref<16448xf32, #tpu.memory_space<vmem>>, vector<16xf32>,
        %swap3A_693 = arith.index_cast %add3A_658 : i32 to index
        %swap3A_694 = arith.constant 0 : index
        %swap3A_695 = tpu.vector_load %arg9[%swap3A_693, %swap3A_694] {strides = array<i32>} : memref<512x64xf32, #tpu.memory_space<vmem>>, vector<16xf32>,
        tpu.vector_store %arg9[%swap3A_693, %swap3A_694], %get3A_664 {strides = array<i32>} : memref<512x64xf32, #tpu.memory_space<vmem>>, vector<16xf32>,
        %swap3A_696 = arith.index_cast %add3A_658 : i32 to index
        %swap3A_697 = arith.constant 16 : index
        %swap3A_698 = tpu.vector_load %arg9[%swap3A_696, %swap3A_697] {strides = array<i32>} : memref<512x64xf32, #tpu.memory_space<vmem>>, vector<16xf32>,
        tpu.vector_store %arg9[%swap3A_696, %swap3A_697], %get3A_668 {strides = array<i32>} : memref<512x64xf32, #tpu.memory_space<vmem>>, vector<16xf32>,
        %swap3A_699 = arith.index_cast %add3A_658 : i32 to index
        %swap3A_700 = arith.constant 32 : index
        %swap3A_701 = tpu.vector_load %arg9[%swap3A_699, %swap3A_700] {strides = array<i32>} : memref<512x64xf32, #tpu.memory_space<vmem>>, vector<16xf32>,
        tpu.vector_store %arg9[%swap3A_699, %swap3A_700], %get3A_672 {strides = array<i32>} : memref<512x64xf32, #tpu.memory_space<vmem>>, vector<16xf32>,
        %swap3A_702 = arith.index_cast %add3A_658 : i32 to index
        %swap3A_703 = arith.constant 48 : index
        %swap3A_704 = tpu.vector_load %arg9[%swap3A_702, %swap3A_703] {strides = array<i32>} : memref<512x64xf32, #tpu.memory_space<vmem>>, vector<16xf32>,
        tpu.vector_store %arg9[%swap3A_702, %swap3A_703], %get3A_676 {strides = array<i32>} : memref<512x64xf32, #tpu.memory_space<vmem>>, vector<16xf32>,
        %swap3A_705 = arith.index_cast %add3A_660 : i32 to index
        %swap3A_706 = arith.constant 0 : index
        %swap3A_707 = tpu.vector_load %arg9[%swap3A_705, %swap3A_706] {strides = array<i32>} : memref<512x64xf32, #tpu.memory_space<vmem>>, vector<16xf32>,
        tpu.vector_store %arg9[%swap3A_705, %swap3A_706], %get3A_680 {strides = array<i32>} : memref<512x64xf32, #tpu.memory_space<vmem>>, vector<16xf32>,
        %swap3A_708 = arith.index_cast %add3A_660 : i32 to index
        %swap3A_709 = arith.constant 16 : index
        %swap3A_710 = tpu.vector_load %arg9[%swap3A_708, %swap3A_709] {strides = array<i32>} : memref<512x64xf32, #tpu.memory_space<vmem>>, vector<16xf32>,
        tpu.vector_store %arg9[%swap3A_708, %swap3A_709], %get3A_684 {strides = array<i32>} : memref<512x64xf32, #tpu.memory_space<vmem>>, vector<16xf32>,
        %swap3A_711 = arith.index_cast %add3A_660 : i32 to index
        %swap3A_712 = arith.constant 32 : index
        %swap3A_713 = tpu.vector_load %arg9[%swap3A_711, %swap3A_712] {strides = array<i32>} : memref<512x64xf32, #tpu.memory_space<vmem>>, vector<16xf32>,
        tpu.vector_store %arg9[%swap3A_711, %swap3A_712], %get3A_688 {strides = array<i32>} : memref<512x64xf32, #tpu.memory_space<vmem>>, vector<16xf32>,
        %swap3A_714 = arith.index_cast %add3A_660 : i32 to index
        %swap3A_715 = arith.constant 48 : index
        %swap3A_716 = tpu.vector_load %arg9[%swap3A_714, %swap3A_715] {strides = array<i32>} : memref<512x64xf32, #tpu.memory_space<vmem>>, vector<16xf32>,
        tpu.vector_store %arg9[%swap3A_714, %swap3A_715], %get3A_692 {strides = array<i32>} : memref<512x64xf32, #tpu.memory_space<vmem>>, vector<16xf32>,
      }
      %scan3A_135 = arith.constant 32 : i32
      %jit3A_136 = arith.constant 4 : i32
      %div3A_137 = arith.divsi %add3A_47, %jit3A_136 : i32
      %sign3A_138 = arith.constant 0 : i32
      %sign3A_139 = arith.cmpi sgt, %add3A_47, %sign3A_138 : i32
      %sign3A_140 = arith.extui %sign3A_139 : i1 to i32
      %sign3A_141 = arith.constant 0 : i32
      %sign3A_142 = arith.cmpi slt, %add3A_47, %sign3A_141 : i32
      %sign3A_143 = arith.extui %sign3A_142 : i1 to i32
      %sign3A_144 = arith.subi %sign3A_140, %sign3A_143 : i32
      %sign3A_145 = arith.constant 0 : i32
      %sign3A_146 = arith.cmpi sgt, %jit3A_136, %sign3A_145 : i32
      %sign3A_147 = arith.extui %sign3A_146 : i1 to i32
      %sign3A_148 = arith.constant 0 : i32
      %sign3A_149 = arith.cmpi slt, %jit3A_136, %sign3A_148 : i32
      %sign3A_150 = arith.extui %sign3A_149 : i1 to i32
      %sign3A_151 = arith.subi %sign3A_147, %sign3A_150 : i32
      %ne3A_152 = arith.cmpi ne, %sign3A_144, %sign3A_151 : i32
      %rem3A_153 = arith.remsi %add3A_47, %jit3A_136 : i32
      %ne3A_154 = arith.constant 0 : i32
      %ne3A_155 = arith.cmpi ne, %rem3A_153, %ne3A_154 : i32
      %and3A_156 = arith.andi %ne3A_152, %ne3A_155 : i1
      %sub3A_157 = arith.constant 1 : i32
      %sub3A_158 = arith.subi %div3A_137, %sub3A_157 : i32
      %select_n3A_159 = arith.select %and3A_156, %sub3A_158, %div3A_137 : i32
      %add3A_160 = arith.addi %mul3A_4, %select_n3A_159 : i32
      %jit3A_161 = arith.constant 4 : i32
      %eq3A_162 = arith.constant 0 : i32
      %eq3A_163 = arith.cmpi eq, %jit3A_161, %eq3A_162 : i32
      %jit3A_164 = arith.constant 1 : i32
      %select_n3A_165 = arith.select %eq3A_163, %jit3A_164, %jit3A_161 : i32
      %rem3A_166 = arith.remsi %add3A_47, %select_n3A_165 : i32
      %ne3A_167 = arith.constant 0 : i32
      %ne3A_168 = arith.cmpi ne, %rem3A_166, %ne3A_167 : i32
      %lt3A_169 = arith.constant 0 : i32
      %lt3A_170 = arith.cmpi slt, %rem3A_166, %lt3A_169 : i32
      %lt3A_171 = arith.constant 0 : i32
      %lt3A_172 = arith.cmpi slt, %select_n3A_165, %lt3A_171 : i32
      %ne3A_173 = arith.xori %lt3A_170, %lt3A_172 : i1
      %and3A_174 = arith.andi %ne3A_173, %ne3A_168 : i1
      %add3A_175 = arith.addi %rem3A_166, %select_n3A_165 : i32
      %select_n3A_176 = arith.select %and3A_174, %add3A_175, %rem3A_166 : i32
      %mul3A_177 = arith.constant 512 : i32
      %mul3A_178 = arith.muli %select_n3A_176, %mul3A_177 : i32
      %dma_start3A_179 = arith.constant 0 : i32
      %dma_start3A_180 = tpu.memref_slice %arg4[%add3A_160, %mul3A_178, %dma_start3A_179] : memref<2048x2048x64xf32, #tpu.memory_space<hbm>> -> memref<1x512x64xf32, #tpu.memory_space<hbm>>
      %dma_start3A_181 = tpu.memref_squeeze %dma_start3A_180 : memref<1x512x64xf32, #tpu.memory_space<hbm>> -> memref<512x64xf32, #tpu.memory_space<hbm>>
      %dma_start3A_182 = arith.constant 0 : i32
      %dma_start3A_183 = tpu.memref_slice %arg4[%add3A_160, %mul3A_178, %dma_start3A_182] : memref<2048x2048x64xf32, #tpu.memory_space<hbm>> -> memref<1x512x64xf32, #tpu.memory_space<hbm>>
      %dma_start3A_184 = tpu.memref_squeeze %dma_start3A_183 : memref<1x512x64xf32, #tpu.memory_space<hbm>> -> memref<512x64xf32, #tpu.memory_space<hbm>>
      tpu.enqueue_dma source(%arg9 : memref<512x64xf32, #tpu.memory_space<vmem>>) target(%dma_start3A_184 : memref<512x64xf32, #tpu.memory_space<hbm>>) target_semaphore(%arg11 : memref<!tpu.dma_semaphore, #tpu.memory_space<semaphore_mem>>)
    }
    %scan3A_15 = arith.constant 128 : i32
    %min3A_16 = arith.constant 0 : i32
    %min3A_17 = arith.constant 255 : i32
    %min3A_18 = arith.minsi %min3A_16, %min3A_17 : i32
    %mul3A_19 = arith.constant 512 : i32
    %mul3A_20 = arith.muli %min3A_18, %mul3A_19 : i32
    %add3A_21 = arith.addi %mul3A_2, %mul3A_20 : i32
    %dma_wait3A = tpu.memref_slice %arg2[%add3A_21] : memref<4194304xi32, #tpu.memory_space<hbm>> -> memref<512xi32, #tpu.memory_space<hbm>>
    %dma_wait3A_22 = tpu.memref_slice %arg2[%add3A_21] : memref<4194304xi32, #tpu.memory_space<hbm>> -> memref<512xi32, #tpu.memory_space<hbm>>
    tpu.wait_dma2 semaphore(%arg12 : memref<!tpu.dma_semaphore, #tpu.memory_space<semaphore_mem>>) src(%dma_wait3A_22 : memref<512xi32, #tpu.memory_space<hbm>>) dst(%arg6 : memref<512xi32, #tpu.memory_space<vmem>>)
    %add3A_23 = arith.constant 0 : i32
    %add3A_24 = arith.addi %mul3A_4, %add3A_23 : i32
    %dma_wait3A_25 = arith.constant 0 : i32
    %dma_wait3A_26 = arith.constant 0 : i32
    %dma_wait3A_27 = tpu.memref_slice %arg4[%add3A_24, %dma_wait3A_25, %dma_wait3A_26] : memref<2048x2048x64xf32, #tpu.memory_space<hbm>> -> memref<1x512x64xf32, #tpu.memory_space<hbm>>
    %dma_wait3A_28 = tpu.memref_squeeze %dma_wait3A_27 : memref<1x512x64xf32, #tpu.memory_space<hbm>> -> memref<512x64xf32, #tpu.memory_space<hbm>>
    %dma_wait3A_29 = arith.constant 0 : i32
    %dma_wait3A_30 = arith.constant 0 : i32
    %dma_wait3A_31 = tpu.memref_slice %arg4[%add3A_24, %dma_wait3A_29, %dma_wait3A_30] : memref<2048x2048x64xf32, #tpu.memory_space<hbm>> -> memref<1x512x64xf32, #tpu.memory_space<hbm>>
    %dma_wait3A_32 = tpu.memref_squeeze %dma_wait3A_31 : memref<1x512x64xf32, #tpu.memory_space<hbm>> -> memref<512x64xf32, #tpu.memory_space<hbm>>
    tpu.wait_dma2 semaphore(%arg10 : memref<!tpu.dma_semaphore, #tpu.memory_space<semaphore_mem>>) src(%arg8 : memref<512x64xf32, #tpu.memory_space<vmem>>) dst(%dma_wait3A_32 : memref<512x64xf32, #tpu.memory_space<hbm>>)
    %add3A_33 = arith.constant 0 : i32
    %add3A_34 = arith.addi %mul3A_4, %add3A_33 : i32
    %dma_wait3A_35 = arith.constant 512 : i32
    %dma_wait3A_36 = arith.constant 0 : i32
    %dma_wait3A_37 = tpu.memref_slice %arg4[%add3A_34, %dma_wait3A_35, %dma_wait3A_36] : memref<2048x2048x64xf32, #tpu.memory_space<hbm>> -> memref<1x512x64xf32, #tpu.memory_space<hbm>>
    %dma_wait3A_38 = tpu.memref_squeeze %dma_wait3A_37 : memref<1x512x64xf32, #tpu.memory_space<hbm>> -> memref<512x64xf32, #tpu.memory_space<hbm>>
    %dma_wait3A_39 = arith.constant 512 : i32
    %dma_wait3A_40 = arith.constant 0 : i32
    %dma_wait3A_41 = tpu.memref_slice %arg4[%add3A_34, %dma_wait3A_39, %dma_wait3A_40] : memref<2048x2048x64xf32, #tpu.memory_space<hbm>> -> memref<1x512x64xf32, #tpu.memory_space<hbm>>
    %dma_wait3A_42 = tpu.memref_squeeze %dma_wait3A_41 : memref<1x512x64xf32, #tpu.memory_space<hbm>> -> memref<512x64xf32, #tpu.memory_space<hbm>>
    tpu.wait_dma2 semaphore(%arg11 : memref<!tpu.dma_semaphore, #tpu.memory_space<semaphore_mem>>) src(%arg9 : memref<512x64xf32, #tpu.memory_space<vmem>>) dst(%dma_wait3A_42 : memref<512x64xf32, #tpu.memory_space<hbm>>)
    return
  }
}

</mosaic_0001>

<sc_bundles>
// kernel: kernel.3.cloned.1.call-start
scs
__scs_entry_jumppad:
0x0: {  	(pc) =	sbr.rel $0x88, $3  }
0x1: {  	(tag) =	ssettag $0x0;
	lr =	simm.s32 $0x1  }
0x2: {  	[smem:$0x3F9F] =	sst lr;
	_ =	strace $0xD0000000  }
0x3: {  	_ = 	snop  }
0x4: {  	_ = 	snop  }
0x5: {  	_ = 	snop  }
0x6: {  	_ = 	snop  }
0x7: {  	_ = 	snop  }
__scs_overlays_trampoline_lowered:
0x8: {  	[smem:$0x3FAE] =	sst s0  }
0x9: {  	[smem:$0x3FAF] =	sst s1  }
0xa: {  	[smem:$0x3FB0] =	sst s2  }
0xb: {  	[smem:$0x3FB1] =	sst s3  }
0xc: {  	[smem:$0x3FB2] =	sst s4  }
0xd: {  	[smem:$0x3FB3] =	sst s5  }
0xe: {  	[smem:$0x3FB4] =	sst s6  }
0xf: {  	[smem:$0x3FB5] =	sst s7  }
0x10: {  	[smem:$0x3FB6] =	sst s8  }
0x11: {  	[smem:$0x3FB7] =	sst s9;
	s0 =	simm.s32 @!p0 $0x0  }
0x12: {  	s1 =	sld [smem:$0x3F9D];
	s0 =	simm.s32 @p0 $0x1  }
0x13: {  	[smem:$0x3FB8] =	sst s0;
	s0 =	simm.s32 @!p1 $0x0  }
0x14: {  	s2 =	sld [smem:$0x3F9C];
	s0 =	simm.s32 @p1 $0x1  }
0x15: {  	[smem:$0x3FB9] =	sst s0;
	s0 =	simm.s32 @!p2 $0x0  }
0x16: {  	s3 =	sld [smem:$0x3FDB];
	s0 =	simm.s32 @p2 $0x1  }
0x17: {  	s4 =	simm.s32 $0x1BF5;
	[smem:$0x3FBB] =	sst s0  }
0x18: {  	s0 =	sld [smem:$0x3F9E];
	_ =	swait.ge [sflag:s4], $0x0  }
0x19: {  	s7 =	sld [smem:$0x3F9F]  }
0x1a: {  	s8 =	sadd.s32 $0xFFFFE003, lr  }
0x1b: {  	s9 =	sadd.s32 $0xFFFFFEF7, lr;
	s5 =	simm.s32 $0xFFFFFFFF;
	p2 =	slt.u32 s8, $0xFFFFF086  }
0x1c: {  	p1 =	slt.u32 s9, $0xF7A;
	s5 =	simm.s32 @!p2 $0x0  }
0x1d: {  	s5 =	simm.s32 @p1 $0x1;
	p0 =	seq.s32 s7, s2  }
0x1e: {  	s7 =	smul.u32 @!p0 $0xF7A, s2;
	p2 =	seq.s32 @!p0 s5, $0x0  }
0x1f: {  	s9 =	smul.u32 $0xF7A, s1;
	s8 =	simm.s32 @!p0 $0x1BF5;
	p2 =	por !p2, p0  }
0x20: {  	[sflag:s8] =	ssyncset.s32 @!p0 $0xFFFFF086;
	s6 =	sadd.s32 @!p0 s3, s7;
	s7 =	simm.s32 @!p0 $0x108  }
0x21: {  	s3 =	sadd.s32 s3, s9;
	s6 =	sadd.s32 @!p0 $0x88, s6;
	s7 =	simm.s32 @p2 $0x1082  }
0x22: {  	[simem:s7], [sflag:s8] =	dma.local @!p0 [hbm:s6], $0xF7A  }
0x23: {  	s9 =	sor.u32 $0xD0000000, s2;
	s6 =	simm.s32 $0x108;
	_ =	swait.ge @!p0 [sflag:s8], $0x0  }
0x24: {  	s3 =	sadd.s32 $0x88, s3;
	s6 =	simm.s32 @!p1 $0x1082;
	[sflag:s4] =	ssyncset.s32 $0xFFFFF086  }
0x25: {  	[simem:s6], [sflag:s4] =	dma.local [hbm:s3], $0xF7A  }
0x26: {  	[smem:$0x3F9F] =	sst s1;
	(tag) =	ssettag s2;
	_ =	strace s9  }
0x27: {  	s1 =	sld [smem:$0x3FAF]  }
0x28: {  	s2 =	sld [smem:$0x3FB0]  }
0x29: {  	s4 =	sld [smem:$0x3FB2]  }
0x2a: {  	p0 =	seq.s32 s5, $0x0;
	s5 =	sld [smem:$0x3FB3]  }
0x2b: {  	s6 =	sld [smem:$0x3FB4]  }
0x2c: {  	s7 =	sld [smem:$0x3FB5]  }
0x2d: {  	s3 =	simm.s32 $0x108;
	s8 =	sld [smem:$0x3FB6]  }
0x2e: {  	s3 =	simm.s32 @!p0 $0x1082;
	s9 =	sld [smem:$0x3FB7]  }
0x2f: {  	lr =	sadd.s32 s0, s3;
	s0 =	sld [smem:$0x3FAE]  }
0x30: {  	s3 =	sld [smem:$0x3FB1]  }
0x31: {  	[smem:$0x3FBA] =	sst s10  }
0x32: {  	s10 =	sld [smem:$0x3FB8];
	_ =	sdelay $0x3  }
0x33: {  	p0 =	seq.s32 s10, $0x1;
	s10 =	sld [smem:$0x3FBA];
	_ =	sdelay $0x3  }
0x34: {  	[smem:$0x3FBA] =	sst s10  }
0x35: {  	s10 =	sld [smem:$0x3FB9];
	_ =	sdelay $0x3  }
0x36: {  	p1 =	seq.s32 s10, $0x1;
	s10 =	sld [smem:$0x3FBA];
	_ =	sdelay $0x3  }
0x37: {  	[smem:$0x3FBA] =	sst s10  }
0x38: {  	s10 =	sld [smem:$0x3FBB]  }
0x39: {  	_ = 	snop;
	(pc) =	sbr.ind lr, $3  }
0x3a: {  	_ = 	snop  }
0x3b: {  	_ = 	snop  }
0x3c: {  	p2 =	seq.s32 s10, $0x1;
	s10 =	sld [smem:$0x3FBA]  }
0x3d: {  	_ =	shalt  }
0x3e: {  	_ =	shalt  }
0x3f: {  	_ =	shalt  }
0x40: {  	_ =	shalt  }
0x41: {  	_ =	shalt  }
0x42: {  	_ =	shalt  }
0x43: {  	_ =	shalt  }
0x44: {  	_ =	shalt  }
0x45: {  	_ =	shalt  }
0x46: {  	_ =	shalt  }
0x47: {  	_ =	shalt  }
0x48: {  	_ =	shalt  }
0x49: {  	_ =	shalt  }
0x4a: {  	_ =	shalt  }
0x4b: {  	_ =	shalt  }
0x4c: {  	_ =	shalt  }
0x4d: {  	_ =	shalt  }
0x4e: {  	_ =	shalt  }
0x4f: {  	_ =	shalt  }
0x50: {  	_ =	shalt  }
0x51: {  	_ =	shalt  }
0x52: {  	_ =	shalt  }
0x53: {  	_ =	shalt  }
0x54: {  	_ =	shalt  }
0x55: {  	_ =	shalt  }
0x56: {  	_ =	shalt  }
0x57: {  	_ =	shalt  }
0x58: {  	_ =	shalt  }
0x59: {  	_ =	shalt  }
0x5a: {  	_ =	shalt  }
0x5b: {  	_ =	shalt  }
0x5c: {  	_ =	shalt  }
0x5d: {  	_ =	shalt  }
0x5e: {  	_ =	shalt  }
0x5f: {  	_ =	shalt  }
0x60: {  	_ =	shalt  }
0x61: {  	_ =	shalt  }
0x62: {  	_ =	shalt  }
0x63: {  	_ =	shalt  }
0x64: {  	_ =	shalt  }
0x65: {  	_ =	shalt  }
0x66: {  	_ =	shalt  }
0x67: {  	_ =	shalt  }
0x68: {  	_ =	shalt  }
0x69: {  	_ =	shalt  }
0x6a: {  	_ =	shalt  }
0x6b: {  	_ =	shalt  }
0x6c: {  	_ =	shalt  }
0x6d: {  	_ =	shalt  }
0x6e: {  	_ =	shalt  }
0x6f: {  	_ =	shalt  }
0x70: {  	_ =	shalt  }
0x71: {  	_ =	shalt  }
0x72: {  	_ =	shalt  }
0x73: {  	_ =	shalt  }
0x74: {  	_ =	shalt  }
0x75: {  	_ =	shalt  }
0x76: {  	_ =	shalt  }
0x77: {  	_ =	shalt  }
0x78: {  	_ =	shalt  }
0x79: {  	_ =	shalt  }
0x7a: {  	_ =	shalt  }
0x7b: {  	_ =	shalt  }
0x7c: {  	_ =	shalt  }
0x7d: {  	_ =	shalt  }
0x7e: {  	_ =	shalt  }
0x7f: {  	_ =	shalt  }
0x80: {  	_ =	shalt  }
0x81: {  	_ =	shalt  }
0x82: {  	_ =	shalt  }
0x83: {  	_ =	shalt  }
0x84: {  	_ =	shalt  }
0x85: {  	_ =	shalt  }
0x86: {  	_ =	shalt  }
0x87: {  	_ =	shalt  }
.Lfunc_end0:
.L_simem_size_0:
called_computation.1_lowered:
.L_overlay_start_0:
0x88: {  	s2 =	sld [smem:$0x3FD9]  }
0x89: {  	s3 =	sld [smem:$0x3FFE];
	_ =	sdelay $0x1  }
0x8a: {  	s1 =	srdreg.scid  }
0x8b: {  	s0 =	sand.u32 $0x1, s1  }
0x8c: {  	s17 =	sshll.u32 s0, $0xA;
	s2 =	sadd.s32 s3, s2  }
0x8d: {  	s2 =	sadd.s32 s2, s17  }
0x8e: {  	[smem:$0x3FC6] =	sst s2  }
0x8f: {  	_ = 	snop  }
0x90: {  	s2 =	sld [smem:$0x3FD0];
	(tm) =	ssettm $0x1  }
0x91: {  	s18 =	sld [smem:$0x3FFB];
	_ =	sdelay $0x3  }
0x92: {  	_ =	strace s18  }
0x93: {  	s3 =	sld [smem:$0x3FFC];
	_ =	sdelay $0x3  }
0x94: {  	_ =	strace s3  }
0x95: {  	s3 =	sld [smem:$0x3FFD];
	_ =	sdelay $0x3  }
0x96: {  	_ =	strace s3  }
0x97: {  	_ =	strace $0x8FFFFFFF  }
0x98: {  	s19 =	sld [smem:$0x3FDB];
	_ =	sdelay $0x1  }
0x99: {  	s4 =	simm.s32 $_scs_section_size  }
0x9a: {  	s5 =	simm.s32 $_size__tile_overlayer_lowered;
	s6 =	simm.s32 $_tile_overlayer_lowered  }
0x9b: {  	s22 =	simm.s32 $0x1BFF;
	s21 =	sshll.u32 s6, $0x1;
	s3 =	sadd.s32 s4, s19  }
0x9c: {  	s7 =	simm.s32 $0x0;
	s20 =	sshll.u32 s5, $0x1;
	s5 =	sadd.s32 s21, s3  }
0x9d: {  	[timem:s7], [sflag:s22] =	dma.local [hbm:s5], s20  }
0x9e: {  	_ =	swait.ge [sflag:s22], s20  }
0x9f: {  	s4 =	ssub.s32 $0x0, s20;
	[sflag:s22] =	ssyncset.done $0x0  }
0xa0: {  	[sflag:s22] =	ssyncadd.s32 s4;
	_ =	sdelay $0x1  }
0xa1: {  	s23 =	simm.s32 $0x1B8B  }
0xa2: {  	_ =	swait.ge [sflag:s23], $0x1  }
0xa3: {  	[sflag:s23] =	ssyncset.done $0x0  }
0xa4: {  	s25 =	simm.s32 $0x1B8E;
	s24 =	sld [smem:$0x3FFE];
	[sflag:s23] =	ssyncadd.s32 $0xFFFFFFFF  }
0xa5: {  	s26 =	simm.s32 $execute0_lowered;
	[smem:$0x3FD2] =	sst s25  }
0xa6: {  	s5 =	sshll.u32 s26, $0x1;
	_ =	strace $0x80000046;
	[dreg:$0x1] =	wrdreg $0xFFFFFFFF  }
0xa7: {  	s28 =	simm.s32 $_size_execute0_lowered;
	s3 =	sadd.s32 s3, s5;
	[dreg:$0x0] =	wrdreg $0x0  }
0xa8: {  	s5 =	sshll.u32 s28, $0x1;
	[dreg:$0x2] =	wrdreg s3  }
0xa9: {  	[dreg:$0x3] =	wrdreg s5  }
0xaa: {  	[dreg:$0x4] =	wrdreg $0xC0  }
0xab: {  	_ =	task [dreg:s7], $0x5FFFF  }
0xac: {  	[dreg:$0x1] =	wrdreg $0xFFFFFFFF  }
0xad: {  	[dreg:$0x0] =	wrdreg $0x60  }
0xae: {  	[dreg:$0x2] =	wrdreg s24  }
0xaf: {  	[dreg:$0x3] =	wrdreg s2  }
0xb0: {  	[dreg:$0x4] =	wrdreg $0x9  }
0xb1: {  	_ =	task.clear_ibuf [dreg:s7], $0x5FFFF;
	_ =	strace $0x90000046  }
0xb2: {  	s29 =	simm.s32 $0x9;
	_ =	strace $0x80000048  }
0xb3: {  	_ =	swait.ge [sflag:s29], $0x1  }
0xb4: {  	[sflag:s29] =	ssyncadd.s32 $0xFFFFFFFF  }
0xb5: {  	_ =	strace $0x90000048  }
0xb6: {  	_ =	sfence  }
0xb7: {  	s30 =	sld [smem:$0x0];
	_ =	sdelay $0x2  }
0xb8: {  	s31 =	sshll.u32 s1, $0xD;
	s1 =	sshrl.u32 s1, $0x2  }
0xb9: {  	s3 =	sand.u32 $0x4000, s31;
	s1 =	sadd.s32 s1, s30  }
0xba: {  	s0 =	sor.u32 s3, s0;
	s1 =	sshll.u32 s1, $0x11  }
0xbb: {  	s0 =	sor.u32 s1, s0  }
0xbc: {  	s0 =	sadd.s32 $0x8F2B, s0  }
0xbd: {  	[sflag:s0] =	ssyncadd.remote.s32 $0x1  }
0xbe: {  	_ =	sfence.sel $0xFFFF  }
0xbf: {  	[dreg:$0x0] =	wrdreg $0xFFFFFFFF;
	(pc) =	sbr.abs _section_cstart, $3  }
0xc0: {  	[dreg:$0x1] =	wrdreg $0xFFFFFFFF  }
0xc1: {  	_ =	task.clear_ibuf [dreg:s7], $0x2FFFF;
	_ =	strace $0x9FFFFFFF  }
0xc2: {  	(tm) =	ssettm $0x7FFFFFFF  }
0xc3: {  	_ =	shalt  }
tec
execute0_lowered:
.L_overlay_start_1:
0x0: {  	(tag) =	ssettag $0x1  }
0x1: {  	s5 =	rddreg [dreg:$0x0]  }
0x2: {  	s1 =	rddreg [dreg:$0x1]  }
0x3: {  	s0 =	rddreg [dreg:$0x2];
	s3 =	simm.s32 $0x0;
	s4 =	srdreg.scid  }
0x4: {  	s2 =	stileid.u32;
	s11 =	simm.s32 $0x5;
	s12 =	simm.s32 $0x4040  }
0x5: {  	s13 =	simm.s32 $0x4240;
	s14 =	simm.s32 $0x3;
	s15 =	simm.s32 $0x4440  }
0x6: {  	s16 =	simm.s32 $0x4;
	s17 =	simm.s32 $0xC440;
	s18 =	simm.s32 $0x1  }
0x7: {  	s19 =	simm.s32 $0x2;
	s20 =	simm.s32 $0x0;
	[smem:$0x7FF] =	sst s3  }
0x8: {  	s6 =	sand.u32 $0x1, s4;
	s8 =	sshll.u32 s2, $0x1;
	s4 =	sadd.s32 $0x1200, s5  }
0x9: {  	s5 =	sadd.s32 $0x800, s5;
	s7 =	ssub.s32 $0x2, s6;
	s8 =	sor.u32 s6, s8  }
0xa: {  	_ =	strace $0x80000047;
	s9 =	sshrl.u32 s7, $0x1;
	s31 =	sshll.u32 s8, $0xE  }
0xb: {  	s6 =	sshll.u32 s8, $0x11;
	s8 =	sshll.u32 s8, $0x14;
	s10 =	ssub.s32 s7, s9  }
0xc: {  	s7 =	sadd.s32 s4, s31;
	s9 =	sor.u32 $0x400, s6;
	s10 =	smax.u32 s10, $0x1  }
.LBB2_1:
0xd: {  	[tilespmem:s3], [sflag:$0x5] =	stream.linear.gather [hbm4b:s5+s3], $0x4040, $0x38;
	[tilespmem:$0x14440] =	vst v63  }
0xe: {  	_ =	swait.ge [sflag:s11], $0x4040  }
0xf: {  	[sflag:s11] =	ssyncset.done $0x0  }
0x10: {  	s21 =	simm.s32 $0x0;
	[sflag:s11] =	ssyncadd.s32 $0xFFFFBFC0  }
0x11: {  	[tilespmem:s12], [sflag:$0x3] =	stream.linear.gather [hbm4b:s7+s3], $0x200, $0x38;
	[tilespmem:$0x14440] =	vst v63  }
.LBB2_2:
0x12: {  	s22 =	sshllo.u32 s21, $0x1  }
0x13: {  	s23 =	sshll.u32 s22, $0x9  }
0x14: {  	s23 =	sadd.s32 s6, s23  }
0x15: {  	s23 =	sshrl.u32 s23, $0x3  }
0x16: {  	s23 =	sadd.s32 s4, s23  }
0x17: {  	[tilespmem:s13], [sflag:$0x4] =	stream.linear.gather [hbm4b:s23+s3], $0x200, $0x38;
	[tilespmem:$0x14440] =	vst v63  }
0x18: {  	_ =	swait.ge [sflag:s14], $0x200  }
0x19: {  	p0 =	seq.s32 s21, $0x0;
	[sflag:s14] =	ssyncset.done $0x0  }
0x1a: {  	s23 =	simm.s32 @!p0 $0x1;
	[sflag:s14] =	ssyncadd.s32 $0xFFFFFE00  }
0x1b: {  	_ =	swait.ge @!p0 [sflag:s23], $0x8000  }
0x1c: {  	s24 =	sshll.u32 s21, $0x1;
	[sflag:s23] =	ssyncset.done @!p0 $0x0  }
0x1d: {  	s25 =	simm.s32 $0x4640;
	[sflag:s23] =	ssyncadd.s32 @!p0 $0xFFFF8000;
	s23 =	simm.s32 $0x0  }
.LBB2_3:
0x1e: {  	s26 =	sshra.s32 s23, $0x2  }
0x1f: {  	v0 =	vld [tilespmem:s26+$0x4040];
	_ =	sdelay $0x4  }
0x20: {  	v0 =	vshll.u32 v0, $0x6  }
0x21: {  	(v2sf) =	vpush v0, $0x0;
	_ =	sdelay $0x3  }
0x22: {  	(v2sf) =	vpush v0, $0x1;
	_ =	sdelay $0xa  }
0x23: {  	s29 =	spop (v2sf);
	(v2sf) =	vpush v0, $0x2  }
0x24: {  	v1 =	vld [tilespmem:s29+$0x0]  }
0x25: {  	v2 =	vld [tilespmem:s29+$0x10]  }
0x26: {  	v3 =	vld [tilespmem:s29+$0x20]  }
0x27: {  	s28 =	spop (v2sf);
	v4 =	vld [tilespmem:s29+$0x30];
	(v2sf) =	vpush v0, $0x3  }
0x28: {  	v5 =	vld [tilespmem:s28+$0x0]  }
0x29: {  	v6 =	vld [tilespmem:s28+$0x10]  }
0x2a: {  	v7 =	vld [tilespmem:s28+$0x20]  }
0x2b: {  	v8 =	vld [tilespmem:s28+$0x30];
	[tilespmem:s25+$0xFFFFFE00] =	vst v1  }
0x2c: {  	[tilespmem:s25+$0xFFFFFE10] =	vst v2  }
0x2d: {  	[tilespmem:s25+$0xFFFFFE20] =	vst v3  }
0x2e: {  	[tilespmem:s25+$0xFFFFFE30] =	vst v4  }
0x2f: {  	[tilespmem:s25+$0xFFFFFE40] =	vst v5  }
0x30: {  	[tilespmem:s25+$0xFFFFFE50] =	vst v6  }
0x31: {  	[tilespmem:s25+$0xFFFFFE60] =	vst v7  }
0x32: {  	[tilespmem:s25+$0xFFFFFE70] =	vst v8;
	s30 =	spop (v2sf);
	(v2sf) =	vpush v0, $0x4  }
0x33: {  	v1 =	vld [tilespmem:s30+$0x0]  }
0x34: {  	v2 =	vld [tilespmem:s30+$0x10]  }
0x35: {  	v3 =	vld [tilespmem:s30+$0x20]  }
0x36: {  	s31 =	spop (v2sf);
	v4 =	vld [tilespmem:s30+$0x30];
	(v2sf) =	vpush v0, $0x5  }
0x37: {  	v5 =	vld [tilespmem:s31+$0x0]  }
0x38: {  	v6 =	vld [tilespmem:s31+$0x10]  }
0x39: {  	v7 =	vld [tilespmem:s31+$0x20]  }
0x3a: {  	v8 =	vld [tilespmem:s31+$0x30];
	[tilespmem:s25+$0xFFFFFE80] =	vst v1  }
0x3b: {  	[tilespmem:s25+$0xFFFFFE90] =	vst v2  }
0x3c: {  	[tilespmem:s25+$0xFFFFFEA0] =	vst v3  }
0x3d: {  	[tilespmem:s25+$0xFFFFFEB0] =	vst v4  }
0x3e: {  	[tilespmem:s25+$0xFFFFFEC0] =	vst v5  }
0x3f: {  	[tilespmem:s25+$0xFFFFFED0] =	vst v6  }
0x40: {  	[tilespmem:s25+$0xFFFFFEE0] =	vst v7  }
0x41: {  	[tilespmem:s25+$0xFFFFFEF0] =	vst v8;
	s29 =	spop (v2sf);
	(v2sf) =	vpush v0, $0x6  }
0x42: {  	v1 =	vld [tilespmem:s29+$0x0]  }
0x43: {  	v2 =	vld [tilespmem:s29+$0x10]  }
0x44: {  	v3 =	vld [tilespmem:s29+$0x20]  }
0x45: {  	s30 =	spop (v2sf);
	v4 =	vld [tilespmem:s29+$0x30];
	(v2sf) =	vpush v0, $0x7  }
0x46: {  	v5 =	vld [tilespmem:s30+$0x0]  }
0x47: {  	v6 =	vld [tilespmem:s30+$0x10]  }
0x48: {  	v7 =	vld [tilespmem:s30+$0x20]  }
0x49: {  	v8 =	vld [tilespmem:s30+$0x30];
	[tilespmem:s25+$0xFFFFFF00] =	vst v1  }
0x4a: {  	[tilespmem:s25+$0xFFFFFF10] =	vst v2  }
0x4b: {  	[tilespmem:s25+$0xFFFFFF20] =	vst v3  }
0x4c: {  	[tilespmem:s25+$0xFFFFFF30] =	vst v4  }
0x4d: {  	[tilespmem:s25+$0xFFFFFF40] =	vst v5  }
0x4e: {  	[tilespmem:s25+$0xFFFFFF50] =	vst v6  }
0x4f: {  	[tilespmem:s25+$0xFFFFFF60] =	vst v7  }
0x50: {  	[tilespmem:s25+$0xFFFFFF70] =	vst v8;
	s31 =	spop (v2sf);
	(v2sf) =	vpush v0, $0x8  }
0x51: {  	v1 =	vld [tilespmem:s31+$0x0]  }
0x52: {  	v2 =	vld [tilespmem:s31+$0x10]  }
0x53: {  	v3 =	vld [tilespmem:s31+$0x20]  }
0x54: {  	s29 =	spop (v2sf);
	v4 =	vld [tilespmem:s31+$0x30];
	(v2sf) =	vpush v0, $0x9  }
0x55: {  	v5 =	vld [tilespmem:s29+$0x0]  }
0x56: {  	v6 =	vld [tilespmem:s29+$0x10]  }
0x57: {  	v7 =	vld [tilespmem:s29+$0x20]  }
0x58: {  	v8 =	vld [tilespmem:s29+$0x30];
	[tilespmem:s25+$0xFFFFFF80] =	vst v1  }
0x59: {  	[tilespmem:s25+$0xFFFFFF90] =	vst v2  }
0x5a: {  	[tilespmem:s25+$0xFFFFFFA0] =	vst v3  }
0x5b: {  	[tilespmem:s25+$0xFFFFFFB0] =	vst v4  }
0x5c: {  	[tilespmem:s25+$0xFFFFFFC0] =	vst v5  }
0x5d: {  	[tilespmem:s25+$0xFFFFFFD0] =	vst v6  }
0x5e: {  	[tilespmem:s25+$0xFFFFFFE0] =	vst v7  }
0x5f: {  	[tilespmem:s25+$0xFFFFFFF0] =	vst v8;
	s30 =	spop (v2sf);
	(v2sf) =	vpush v0, $0xA  }
0x60: {  	v1 =	vld [tilespmem:s30+$0x0]  }
0x61: {  	v2 =	vld [tilespmem:s30+$0x10]  }
0x62: {  	v3 =	vld [tilespmem:s30+$0x20]  }
0x63: {  	s31 =	spop (v2sf);
	v4 =	vld [tilespmem:s30+$0x30];
	(v2sf) =	vpush v0, $0xB  }
0x64: {  	v5 =	vld [tilespmem:s31+$0x0]  }
0x65: {  	v6 =	vld [tilespmem:s31+$0x10]  }
0x66: {  	v7 =	vld [tilespmem:s31+$0x20]  }
0x67: {  	v8 =	vld [tilespmem:s31+$0x30];
	[tilespmem:s25+$0x0] =	vst v1  }
0x68: {  	[tilespmem:s25+$0x10] =	vst v2  }
0x69: {  	[tilespmem:s25+$0x20] =	vst v3  }
0x6a: {  	[tilespmem:s25+$0x30] =	vst v4  }
0x6b: {  	[tilespmem:s25+$0x40] =	vst v5  }
0x6c: {  	[tilespmem:s25+$0x50] =	vst v6  }
0x6d: {  	[tilespmem:s25+$0x60] =	vst v7  }
0x6e: {  	[tilespmem:s25+$0x70] =	vst v8;
	s29 =	spop (v2sf);
	(v2sf) =	vpush v0, $0xC  }
0x6f: {  	v1 =	vld [tilespmem:s29+$0x0]  }
0x70: {  	v2 =	vld [tilespmem:s29+$0x10]  }
0x71: {  	v3 =	vld [tilespmem:s29+$0x20]  }
0x72: {  	s30 =	spop (v2sf);
	v4 =	vld [tilespmem:s29+$0x30];
	(v2sf) =	vpush v0, $0xD  }
0x73: {  	v5 =	vld [tilespmem:s30+$0x0]  }
0x74: {  	v6 =	vld [tilespmem:s30+$0x10]  }
0x75: {  	v7 =	vld [tilespmem:s30+$0x20]  }
0x76: {  	v8 =	vld [tilespmem:s30+$0x30];
	[tilespmem:s25+$0x80] =	vst v1  }
0x77: {  	[tilespmem:s25+$0x90] =	vst v2  }
0x78: {  	[tilespmem:s25+$0xA0] =	vst v3  }
0x79: {  	[tilespmem:s25+$0xB0] =	vst v4  }
0x7a: {  	[tilespmem:s25+$0xC0] =	vst v5  }
0x7b: {  	[tilespmem:s25+$0xD0] =	vst v6  }
0x7c: {  	[tilespmem:s25+$0xE0] =	vst v7  }
0x7d: {  	[tilespmem:s25+$0xF0] =	vst v8;
	s31 =	spop (v2sf);
	(v2sf) =	vpush v0, $0xE  }
0x7e: {  	v1 =	vld [tilespmem:s31+$0x0]  }
0x7f: {  	v2 =	vld [tilespmem:s31+$0x10]  }
0x80: {  	v3 =	vld [tilespmem:s31+$0x20]  }
0x81: {  	s29 =	spop (v2sf);
	v4 =	vld [tilespmem:s31+$0x30];
	(v2sf) =	vpush v0, $0xF  }
0x82: {  	v5 =	vld [tilespmem:s29+$0x0]  }
0x83: {  	v63 =	vld [tilespmem:s29+$0x10]  }
0x84: {  	v6 =	vld [tilespmem:s29+$0x20]  }
0x85: {  	v7 =	vld [tilespmem:s29+$0x30];
	[tilespmem:s25+$0x100] =	vst v1  }
0x86: {  	[tilespmem:s25+$0x110] =	vst v2  }
0x87: {  	[tilespmem:s25+$0x120] =	vst v3  }
0x88: {  	[tilespmem:s25+$0x130] =	vst v4  }
0x89: {  	[tilespmem:s25+$0x140] =	vst v5  }
0x8a: {  	[tilespmem:s25+$0x150] =	vst v63  }
0x8b: {  	[tilespmem:s25+$0x160] =	vst v6  }
0x8c: {  	[tilespmem:s25+$0x170] =	vst v7;
	s30 =	spop (v2sf)  }
0x8d: {  	v0 =	vld [tilespmem:s30+$0x0]  }
0x8e: {  	v1 =	vld [tilespmem:s30+$0x10]  }
0x8f: {  	v2 =	vld [tilespmem:s30+$0x20]  }
0x90: {  	s31 =	spop (v2sf);
	v3 =	vld [tilespmem:s30+$0x30]  }
0x91: {  	v4 =	vld [tilespmem:s31+$0x0]  }
0x92: {  	v5 =	vld [tilespmem:s31+$0x10]  }
0x93: {  	v6 =	vld [tilespmem:s31+$0x20]  }
0x94: {  	v7 =	vld [tilespmem:s31+$0x30];
	[tilespmem:s25+$0x180] =	vst v0  }
0x95: {  	[tilespmem:s25+$0x190] =	vst v1  }
0x96: {  	p1 =	sne.s32 s23, $0x7C0;
	[tilespmem:s25+$0x1A0] =	vst v2  }
.Ltmp0:
0x97: {  	[tilespmem:s25+$0x1B0] =	vst v3;
	(pc) =	sbr.rel @p1 .LBB2_3-.Ltmp0, $4  }
0x98: {  	[tilespmem:s25+$0x1C0] =	vst v4  }
0x99: {  	[tilespmem:s25+$0x1D0] =	vst v5  }
0x9a: {  	[tilespmem:s25+$0x1E0] =	vst v6  }
0x9b: {  	s23 =	sadd.s32 $0x40, s23;
	[tilespmem:s25+$0x1F0] =	vst v7;
	s25 =	sadd.s32 $0x400, s25  }
0x9c: {  	s23 =	sshll.u32 s21, $0xD;
	s24 =	smin.u32 s24, $0xFD  }
0x9d: {  	s25 =	sand.u32 $0xFC000, s23;
	s26 =	sand.u32 $0x2000, s23;
	s24 =	sshll.u32 s24, $0x9  }
0x9e: {  	s23 =	sor.u32 s8, s25;
	s31 =	sadd.s32 s1, s26;
	s24 =	sadd.s32 s24, s9  }
0x9f: {  	s25 =	sadd.s32 s23, s31;
	s24 =	sshrl.u32 s24, $0x3  }
0xa0: {  	[hbm4b:s25+s3] =	stream.linear.scatter [tilespmem:s15], [sflag:$0x1], $0x8000, $0x38;
	[tilespmem:$0x14440] =	vst v63  }
0xa1: {  	s24 =	sadd.s32 s4, s24  }
0xa2: {  	[tilespmem:s12], [sflag:$0x3] =	stream.linear.gather [hbm4b:s24+s3], $0x200, $0x38;
	[tilespmem:$0x14440] =	vst v63  }
0xa3: {  	_ =	swait.ge [sflag:s16], $0x200  }
0xa4: {  	[sflag:s16] =	ssyncset.done $0x0  }
0xa5: {  	s24 =	simm.s32 @!p0 $0x2;
	[sflag:s16] =	ssyncadd.s32 $0xFFFFFE00  }
0xa6: {  	_ =	swait.ge @!p0 [sflag:s24], $0x8000  }
0xa7: {  	[sflag:s24] =	ssyncset.done @!p0 $0x0  }
0xa8: {  	s25 =	simm.s32 $0xC640;
	[sflag:s24] =	ssyncadd.s32 @!p0 $0xFFFF8000;
	s24 =	simm.s32 $0x0  }
.LBB2_5:
0xa9: {  	s26 =	sshra.s32 s24, $0x2  }
0xaa: {  	v0 =	vld [tilespmem:s26+$0x4240];
	_ =	sdelay $0x4  }
0xab: {  	v0 =	vshll.u32 v0, $0x6  }
0xac: {  	(v2sf) =	vpush v0, $0x0;
	_ =	sdelay $0x3  }
0xad: {  	(v2sf) =	vpush v0, $0x1;
	_ =	sdelay $0xa  }
0xae: {  	s29 =	spop (v2sf);
	(v2sf) =	vpush v0, $0x2  }
0xaf: {  	v1 =	vld [tilespmem:s29+$0x0]  }
0xb0: {  	v2 =	vld [tilespmem:s29+$0x10]  }
0xb1: {  	v3 =	vld [tilespmem:s29+$0x20]  }
0xb2: {  	s28 =	spop (v2sf);
	v4 =	vld [tilespmem:s29+$0x30];
	(v2sf) =	vpush v0, $0x3  }
0xb3: {  	v5 =	vld [tilespmem:s28+$0x0]  }
0xb4: {  	v6 =	vld [tilespmem:s28+$0x10]  }
0xb5: {  	v7 =	vld [tilespmem:s28+$0x20]  }
0xb6: {  	v8 =	vld [tilespmem:s28+$0x30];
	[tilespmem:s25+$0xFFFFFE00] =	vst v1  }
0xb7: {  	[tilespmem:s25+$0xFFFFFE10] =	vst v2  }
0xb8: {  	[tilespmem:s25+$0xFFFFFE20] =	vst v3  }
0xb9: {  	[tilespmem:s25+$0xFFFFFE30] =	vst v4  }
0xba: {  	[tilespmem:s25+$0xFFFFFE40] =	vst v5  }
0xbb: {  	[tilespmem:s25+$0xFFFFFE50] =	vst v6  }
0xbc: {  	[tilespmem:s25+$0xFFFFFE60] =	vst v7  }
0xbd: {  	[tilespmem:s25+$0xFFFFFE70] =	vst v8;
	s30 =	spop (v2sf);
	(v2sf) =	vpush v0, $0x4  }
0xbe: {  	v1 =	vld [tilespmem:s30+$0x0]  }
0xbf: {  	v2 =	vld [tilespmem:s30+$0x10]  }
0xc0: {  	v3 =	vld [tilespmem:s30+$0x20]  }
0xc1: {  	s31 =	spop (v2sf);
	v4 =	vld [tilespmem:s30+$0x30];
	(v2sf) =	vpush v0, $0x5  }
0xc2: {  	v5 =	vld [tilespmem:s31+$0x0]  }
0xc3: {  	v6 =	vld [tilespmem:s31+$0x10]  }
0xc4: {  	v7 =	vld [tilespmem:s31+$0x20]  }
0xc5: {  	v8 =	vld [tilespmem:s31+$0x30];
	[tilespmem:s25+$0xFFFFFE80] =	vst v1  }
0xc6: {  	[tilespmem:s25+$0xFFFFFE90] =	vst v2  }
0xc7: {  	[tilespmem:s25+$0xFFFFFEA0] =	vst v3  }
0xc8: {  	[tilespmem:s25+$0xFFFFFEB0] =	vst v4  }
0xc9: {  	[tilespmem:s25+$0xFFFFFEC0] =	vst v5  }
0xca: {  	[tilespmem:s25+$0xFFFFFED0] =	vst v6  }
0xcb: {  	[tilespmem:s25+$0xFFFFFEE0] =	vst v7  }
0xcc: {  	[tilespmem:s25+$0xFFFFFEF0] =	vst v8;
	s29 =	spop (v2sf);
	(v2sf) =	vpush v0, $0x6  }
0xcd: {  	v1 =	vld [tilespmem:s29+$0x0]  }
0xce: {  	v2 =	vld [tilespmem:s29+$0x10]  }
0xcf: {  	v3 =	vld [tilespmem:s29+$0x20]  }
0xd0: {  	s30 =	spop (v2sf);
	v4 =	vld [tilespmem:s29+$0x30];
	(v2sf) =	vpush v0, $0x7  }
0xd1: {  	v5 =	vld [tilespmem:s30+$0x0]  }
0xd2: {  	v6 =	vld [tilespmem:s30+$0x10]  }
0xd3: {  	v7 =	vld [tilespmem:s30+$0x20]  }
0xd4: {  	v8 =	vld [tilespmem:s30+$0x30];
	[tilespmem:s25+$0xFFFFFF00] =	vst v1  }
0xd5: {  	[tilespmem:s25+$0xFFFFFF10] =	vst v2  }
0xd6: {  	[tilespmem:s25+$0xFFFFFF20] =	vst v3  }
0xd7: {  	[tilespmem:s25+$0xFFFFFF30] =	vst v4  }
0xd8: {  	[tilespmem:s25+$0xFFFFFF40] =	vst v5  }
0xd9: {  	[tilespmem:s25+$0xFFFFFF50] =	vst v6  }
0xda: {  	[tilespmem:s25+$0xFFFFFF60] =	vst v7  }
0xdb: {  	[tilespmem:s25+$0xFFFFFF70] =	vst v8;
	s31 =	spop (v2sf);
	(v2sf) =	vpush v0, $0x8  }
0xdc: {  	v1 =	vld [tilespmem:s31+$0x0]  }
0xdd: {  	v2 =	vld [tilespmem:s31+$0x10]  }
0xde: {  	v3 =	vld [tilespmem:s31+$0x20]  }
0xdf: {  	s29 =	spop (v2sf);
	v4 =	vld [tilespmem:s31+$0x30];
	(v2sf) =	vpush v0, $0x9  }
0xe0: {  	v5 =	vld [tilespmem:s29+$0x0]  }
0xe1: {  	v6 =	vld [tilespmem:s29+$0x10]  }
0xe2: {  	v7 =	vld [tilespmem:s29+$0x20]  }
0xe3: {  	v8 =	vld [tilespmem:s29+$0x30];
	[tilespmem:s25+$0xFFFFFF80] =	vst v1  }
0xe4: {  	[tilespmem:s25+$0xFFFFFF90] =	vst v2  }
0xe5: {  	[tilespmem:s25+$0xFFFFFFA0] =	vst v3  }
0xe6: {  	[tilespmem:s25+$0xFFFFFFB0] =	vst v4  }
0xe7: {  	[tilespmem:s25+$0xFFFFFFC0] =	vst v5  }
0xe8: {  	[tilespmem:s25+$0xFFFFFFD0] =	vst v6  }
0xe9: {  	[tilespmem:s25+$0xFFFFFFE0] =	vst v7  }
0xea: {  	[tilespmem:s25+$0xFFFFFFF0] =	vst v8;
	s30 =	spop (v2sf);
	(v2sf) =	vpush v0, $0xA  }
0xeb: {  	v1 =	vld [tilespmem:s30+$0x0]  }
0xec: {  	v2 =	vld [tilespmem:s30+$0x10]  }
0xed: {  	v3 =	vld [tilespmem:s30+$0x20]  }
0xee: {  	s31 =	spop (v2sf);
	v4 =	vld [tilespmem:s30+$0x30];
	(v2sf) =	vpush v0, $0xB  }
0xef: {  	v5 =	vld [tilespmem:s31+$0x0]  }
0xf0: {  	v6 =	vld [tilespmem:s31+$0x10]  }
0xf1: {  	v7 =	vld [tilespmem:s31+$0x20]  }
0xf2: {  	v8 =	vld [tilespmem:s31+$0x30];
	[tilespmem:s25+$0x0] =	vst v1  }
0xf3: {  	[tilespmem:s25+$0x10] =	vst v2  }
0xf4: {  	[tilespmem:s25+$0x20] =	vst v3  }
0xf5: {  	[tilespmem:s25+$0x30] =	vst v4  }
0xf6: {  	[tilespmem:s25+$0x40] =	vst v5  }
0xf7: {  	[tilespmem:s25+$0x50] =	vst v6  }
0xf8: {  	[tilespmem:s25+$0x60] =	vst v7  }
0xf9: {  	[tilespmem:s25+$0x70] =	vst v8;
	s29 =	spop (v2sf);
	(v2sf) =	vpush v0, $0xC  }
0xfa: {  	v1 =	vld [tilespmem:s29+$0x0]  }
0xfb: {  	v2 =	vld [tilespmem:s29+$0x10]  }
0xfc: {  	v3 =	vld [tilespmem:s29+$0x20]  }
0xfd: {  	s30 =	spop (v2sf);
	v4 =	vld [tilespmem:s29+$0x30];
	(v2sf) =	vpush v0, $0xD  }
0xfe: {  	v5 =	vld [tilespmem:s30+$0x0]  }
0xff: {  	v6 =	vld [tilespmem:s30+$0x10]  }
0x100: {  	v7 =	vld [tilespmem:s30+$0x20]  }
0x101: {  	v8 =	vld [tilespmem:s30+$0x30];
	[tilespmem:s25+$0x80] =	vst v1  }
0x102: {  	[tilespmem:s25+$0x90] =	vst v2  }
0x103: {  	[tilespmem:s25+$0xA0] =	vst v3  }
0x104: {  	[tilespmem:s25+$0xB0] =	vst v4  }
0x105: {  	[tilespmem:s25+$0xC0] =	vst v5  }
0x106: {  	[tilespmem:s25+$0xD0] =	vst v6  }
0x107: {  	[tilespmem:s25+$0xE0] =	vst v7  }
0x108: {  	[tilespmem:s25+$0xF0] =	vst v8;
	s31 =	spop (v2sf);
	(v2sf) =	vpush v0, $0xE  }
0x109: {  	v1 =	vld [tilespmem:s31+$0x0]  }
0x10a: {  	v2 =	vld [tilespmem:s31+$0x10]  }
0x10b: {  	v3 =	vld [tilespmem:s31+$0x20]  }
0x10c: {  	s29 =	spop (v2sf);
	v4 =	vld [tilespmem:s31+$0x30];
	(v2sf) =	vpush v0, $0xF  }
0x10d: {  	v5 =	vld [tilespmem:s29+$0x0]  }
0x10e: {  	v63 =	vld [tilespmem:s29+$0x10]  }
0x10f: {  	v6 =	vld [tilespmem:s29+$0x20]  }
0x110: {  	v7 =	vld [tilespmem:s29+$0x30];
	[tilespmem:s25+$0x100] =	vst v1  }
0x111: {  	[tilespmem:s25+$0x110] =	vst v2  }
0x112: {  	[tilespmem:s25+$0x120] =	vst v3  }
0x113: {  	[tilespmem:s25+$0x130] =	vst v4  }
0x114: {  	[tilespmem:s25+$0x140] =	vst v5  }
0x115: {  	[tilespmem:s25+$0x150] =	vst v63  }
0x116: {  	[tilespmem:s25+$0x160] =	vst v6  }
0x117: {  	[tilespmem:s25+$0x170] =	vst v7;
	s30 =	spop (v2sf)  }
0x118: {  	v0 =	vld [tilespmem:s30+$0x0]  }
0x119: {  	v1 =	vld [tilespmem:s30+$0x10]  }
0x11a: {  	v2 =	vld [tilespmem:s30+$0x20]  }
0x11b: {  	s31 =	spop (v2sf);
	v3 =	vld [tilespmem:s30+$0x30]  }
0x11c: {  	v4 =	vld [tilespmem:s31+$0x0]  }
0x11d: {  	v5 =	vld [tilespmem:s31+$0x10]  }
0x11e: {  	v6 =	vld [tilespmem:s31+$0x20]  }
0x11f: {  	v7 =	vld [tilespmem:s31+$0x30];
	[tilespmem:s25+$0x180] =	vst v0  }
0x120: {  	[tilespmem:s25+$0x190] =	vst v1  }
0x121: {  	p0 =	sne.s32 s24, $0x7C0;
	[tilespmem:s25+$0x1A0] =	vst v2  }
.Ltmp1:
0x122: {  	[tilespmem:s25+$0x1B0] =	vst v3;
	(pc) =	sbr.rel @p0 .LBB2_5-.Ltmp1, $4  }
0x123: {  	[tilespmem:s25+$0x1C0] =	vst v4  }
0x124: {  	[tilespmem:s25+$0x1D0] =	vst v5  }
0x125: {  	[tilespmem:s25+$0x1E0] =	vst v6  }
0x126: {  	s24 =	sadd.s32 $0x40, s24;
	[tilespmem:s25+$0x1F0] =	vst v7;
	s25 =	sadd.s32 $0x400, s25  }
0x127: {  	s21 =	sadd.s32 $0x1, s21  }
0x128: {  	p0 =	sne.s32 s21, $0x80  }
.Ltmp2:
0x129: {  	_ = 	snop;
	(pc) =	sbr.rel @p0 .LBB2_2-.Ltmp2, $4  }
0x12a: {  	s22 =	sshll.u32 s22, $0xC  }
0x12b: {  	s23 =	sadd.s32 s1, s23;
	s22 =	sand.u32 $0x3000, s22  }
0x12c: {  	s22 =	sadd.s32 s22, s23  }
0x12d: {  	[hbm4b:s22+s3] =	stream.linear.scatter [tilespmem:s17], [sflag:$0x2], $0x8000, $0x38;
	[tilespmem:$0x14440] =	vst v63  }
0x12e: {  	_ =	swait.ge [sflag:s14], $0x200  }
0x12f: {  	[sflag:s14] =	ssyncset.done $0x0  }
0x130: {  	s20 =	sadd.s32 $0x1, s20;
	[sflag:s14] =	ssyncadd.s32 $0xFFFFFE00  }
0x131: {  	p0 =	sne.s32 s20, s10;
	_ =	swait.ge [sflag:s18], $0x8000  }
.Ltmp3:
0x132: {  	[sflag:s18] =	ssyncset.done $0x0;
	(pc) =	sbr.rel @p0 .LBB2_1-.Ltmp3, $4  }
0x133: {  	[sflag:s18] =	ssyncadd.s32 $0xFFFF8000  }
0x134: {  	_ =	swait.ge [sflag:s19], $0x8000  }
0x135: {  	[sflag:s19] =	ssyncset.done $0x0  }
0x136: {  	[sflag:s19] =	ssyncadd.s32 $0xFFFF8000  }
0x137: {  	_ =	sfence.sel $0x180000  }
0x138: {  	[bflag:$0x0] =	sbarrier.arrive $0xFFFF  }
0x139: {  	p0 =	sne.s32 s2, $0x0;
	_ =	strace $0x90000047  }
0x13a: {  	s0 =	sadd.s32 @!p0 $0x100000, s0;
	[bflag:$0x2] =	sbarrier.arrive $0xFFFF  }
0x13b: {  	[sflag:s0] =	ssyncadd.tile.s32 @!p0 $0x1;
	_ =	shalt  }
.Lfunc_end2:
_tile_overlayer_lowered:
.L_overlay_start_2:
0x13c: {  	(tag) =	ssettag $0x2  }
0x13d: {  	s0 =	rddreg [dreg:$0x0];
	s2 =	stileid.u32  }
0x13e: {  	s1 =	rddreg [dreg:$0x1];
	p0 =	sne.s32 s2, $0x0  }
0x13f: {  	s3 =	rddreg [dreg:$0x2];
	[bflag:$0x3] =	sbarrier.arrive $0xFFFF;
	s2 =	simm.s32 @!p0 $0x1C05  }
0x140: {  	[timem:s3], [sflag:s2] =	dma.local @!p0 [hbm:s0], s1  }
0x141: {  	s0 =	simm.s32 @!p0 $0x5  }
0x142: {  	_ =	swait.ge @!p0 [sflag:s0], s1  }
0x143: {  	s1 =	ssub.s32 @!p0 $0x0, s1;
	[sflag:s0] =	ssyncset.done @!p0 $0x0  }
0x144: {  	[sflag:s0] =	ssyncadd.s32 @!p0 s1  }
0x145: {  	[bflag:$0x3] =	sbarrier.arrive $0xFFFF  }
0x146: {  	_ =	shalt  }

// kernel: sparse-core-data-format-call.cloned.1.call-start
scs
called_computation_lowered:
.L_overlay_start_0:
0x0: {  	s2 =	sld [smem:$0x3FD9]  }
0x1: {  	s3 =	sld [smem:$0x3FFE];
	_ =	sdelay $0x1  }
0x2: {  	s1 =	srdreg.scid  }
0x3: {  	s0 =	sand.u32 $0x1, s1  }
0x4: {  	s18 =	sshll.u32 s0, $0xA;
	s2 =	sadd.s32 s3, s2  }
0x5: {  	s2 =	sadd.s32 s2, s18  }
0x6: {  	[smem:$0x3FC6] =	sst s2  }
0x7: {  	_ = 	snop  }
0x8: {  	s2 =	sld [smem:$0x3FD0];
	(tm) =	ssettm $0x1  }
0x9: {  	s19 =	sld [smem:$0x3FFB];
	_ =	sdelay $0x3  }
0xa: {  	_ =	strace s19  }
0xb: {  	s3 =	sld [smem:$0x3FFC];
	_ =	sdelay $0x3  }
0xc: {  	_ =	strace s3  }
0xd: {  	s3 =	sld [smem:$0x3FFD];
	_ =	sdelay $0x3  }
0xe: {  	_ =	strace s3  }
0xf: {  	_ =	strace $0x8FFFFFFF  }
0x10: {  	s20 =	sld [smem:$0x3FDB];
	_ =	sdelay $0x1  }
0x11: {  	s4 =	simm.s32 $_scs_section_size  }
0x12: {  	s5 =	simm.s32 $_size__tile_overlayer_lowered;
	s6 =	simm.s32 $_tile_overlayer_lowered  }
0x13: {  	s23 =	simm.s32 $0x1BFF;
	s22 =	sshll.u32 s6, $0x1;
	s3 =	sadd.s32 s4, s20  }
0x14: {  	s7 =	simm.s32 $0x0;
	s21 =	sshll.u32 s5, $0x1;
	s5 =	sadd.s32 s22, s3  }
0x15: {  	[timem:s7], [sflag:s23] =	dma.local [hbm:s5], s21  }
0x16: {  	_ =	swait.ge [sflag:s23], s21  }
0x17: {  	s4 =	ssub.s32 $0x0, s21;
	[sflag:s23] =	ssyncset.done $0x0  }
0x18: {  	[sflag:s23] =	ssyncadd.s32 s4;
	_ =	sdelay $0x1  }
0x19: {  	s24 =	simm.s32 $0x1B8B  }
0x1a: {  	_ =	swait.ge [sflag:s24], $0x1  }
0x1b: {  	[sflag:s24] =	ssyncset.done $0x0  }
0x1c: {  	s26 =	simm.s32 $0x1B8E;
	s25 =	sld [smem:$0x3FFE];
	[sflag:s24] =	ssyncadd.s32 $0xFFFFFFFF  }
0x1d: {  	s27 =	simm.s32 $execute0_lowered;
	[smem:$0x3FD2] =	sst s26  }
0x1e: {  	s5 =	sshll.u32 s27, $0x1;
	_ =	strace $0x80000049;
	[dreg:$0x1] =	wrdreg $0xFFFFFFFF  }
0x1f: {  	s28 =	simm.s32 $_size_execute0_lowered;
	s3 =	sadd.s32 s3, s5;
	[dreg:$0x0] =	wrdreg $0x0  }
0x20: {  	s5 =	sshll.u32 s28, $0x1;
	[dreg:$0x2] =	wrdreg s3  }
0x21: {  	[dreg:$0x3] =	wrdreg s5  }
0x22: {  	[dreg:$0x4] =	wrdreg $0xC0  }
0x23: {  	_ =	task [dreg:s7], $0x5FFFF  }
0x24: {  	[dreg:$0x1] =	wrdreg $0xFFFFFFFF  }
0x25: {  	[dreg:$0x0] =	wrdreg $0x60  }
0x26: {  	[dreg:$0x2] =	wrdreg s25  }
0x27: {  	[dreg:$0x3] =	wrdreg s2  }
0x28: {  	[dreg:$0x4] =	wrdreg $0x9  }
0x29: {  	_ =	task.clear_ibuf [dreg:s7], $0x5FFFF;
	_ =	strace $0x90000049  }
0x2a: {  	s29 =	simm.s32 $0x9;
	_ =	strace $0x8000004B  }
0x2b: {  	_ =	swait.ge [sflag:s29], $0x1  }
0x2c: {  	[sflag:s29] =	ssyncadd.s32 $0xFFFFFFFF  }
0x2d: {  	_ =	strace $0x9000004B  }
0x2e: {  	_ =	sfence  }
0x2f: {  	s30 =	sld [smem:$0x0];
	_ =	sdelay $0x2  }
0x30: {  	s31 =	sshll.u32 s1, $0xD;
	s1 =	sshrl.u32 s1, $0x2  }
0x31: {  	s3 =	sand.u32 $0x4000, s31;
	s1 =	sadd.s32 s1, s30  }
0x32: {  	s0 =	sor.u32 s3, s0;
	s1 =	sshll.u32 s1, $0x11  }
0x33: {  	s0 =	sor.u32 s1, s0  }
0x34: {  	s0 =	sadd.s32 $0x8F2B, s0  }
0x35: {  	[sflag:s0] =	ssyncadd.remote.s32 $0x1  }
0x36: {  	_ =	sfence.sel $0xFFFF  }
0x37: {  	[dreg:$0x0] =	wrdreg $0xFFFFFFFF;
	(pc) =	sbr.abs _section_cstart, $3  }
0x38: {  	[dreg:$0x1] =	wrdreg $0xFFFFFFFF  }
0x39: {  	_ =	task.clear_ibuf [dreg:s7], $0x2FFFF;
	_ =	strace $0x9FFFFFFF  }
0x3a: {  	(tm) =	ssettm $0x7FFFFFFF  }
0x3b: {  	_ =	shalt  }
tec
execute0_lowered:
.L_overlay_start_1:
0x0: {  	(tag) =	ssettag $0x1  }
0x1: {  	s0 =	srdreg.scid  }
0x2: {  	s7 =	rddreg [dreg:$0x0];
	s1 =	sshll.u32 s0, $0x4  }
0x3: {  	s3 =	rddreg [dreg:$0x1];
	s0 =	stileid.u32;
	s1 =	sand.u32 $0x10, s1  }
0x4: {  	s6 =	simm.s32 $0x1;
	s31 =	simm.s32 $0x2;
	s1 =	sor.u32 s0, s1  }
0x5: {  	s13 =	simm.s32 $0x0;
	s9 =	simm.s32 $0x4000;
	s2 =	sshll.u32 s1, $0x1  }
0x6: {  	s14 =	simm.s32 $0x0;
	s10 =	simm.s32 $0x0;
	s4 =	ssub.s32 $0x800, s2  }
0x7: {  	s12 =	simm.s32 $0x0;
	s1 =	rddreg [dreg:$0x2];
	s5 =	sand.u32 $0x3E, s4  }
.Ltmp0:
0x8: {  	_ =	strace $0x8000004A;
	p0 =	sne.s32 s5, $0x0;
	(pc) =	sbr.rel .LBB1_1-.Ltmp0, $4  }
0x9: {  	s11 =	smov.u32 s2;
	s8 =	sshrl.u32 s4, $0x6;
	s6 =	simm.s32 @!p0 $0x0  }
0xa: {  	s4 =	sadd.s32 $0x800, s7;
	s5 =	simm.s32 $0x1;
	s6 =	sadd.s32 s6, s8  }
0xb: {  	s7 =	sadd.s32 $0x8800, s7;
	[sflag:s5] =	ssyncpa.u1 $0x0;
	s6 =	sshll.u32 s6, $0x4  }
0xc: {  	p0 =	por $0x0, $0x0;
	[sflag:s31] =	ssyncpa.u1 $0x0;
	s8 =	sor.u32 $0x1, s6  }
.LBB1_7:
0xd: {  	s15 =	sadd.s32 $0x80, s10  }
0xe: {  	s13 =	sadd.s32 $0x40, s11;
	s17 =	smov.u32 s11;
	p2 =	sgt.s32 s15, $0x7FF  }
0xf: {  	s17 =	smov.u32 @p2 s13  }
0x10: {  	s15 =	simm.s32 @p2 $0x0;
	p2 =	sgt.s32 s17, $0x7FF  }
0x11: {  	s17 =	smov.u32 @p2 s2;
	p2 =	sne.s32 s12, s8  }
.Ltmp1:
0x12: {  	p1 =	slt.u32 s12, $0x2;
	(pc) =	sbr.rel @!p2 .LBB1_8-.Ltmp1, $4  }
0x13: {  	s16 =	simm.s32 @!p1 $0x2  }
0x14: {  	s14 =	smov.u32 s11;
	p0 =	por !p0, !p0;
	_ =	swait.ge @!p1 [sflag:s16], $0x4000  }
0x15: {  	s13 =	smov.u32 s10;
	[sflag:s16] =	ssyncset.done @!p1 $0x0;
	s10 =	smov.u32 s15  }
0x16: {  	s12 =	sadd.s32 $0x1, s12;
	[sflag:s16] =	ssyncadd.s32 @!p1 $0xFFFFC000;
	s11 =	smov.u32 s17  }
.LBB1_1:
0x17: {  	p1 =	sge.u32 s12, s6  }
0x18: {  	s15 =	sxor.u32 @!p1 $0xFFFFFFFF, s12;
	s16 =	sshll.u32 @!p1 s11, $0xF  }
0x19: {  	s17 =	sshll.u32 @!p1 s10, $0x4;
	s19 =	simm.s32 @!p1 $0x40;
	s20 =	simm.s32 @!p1 $0x80  }
0x1a: {  	s15 =	sshll.u32 @!p1 s15, $0xE;
	s17 =	sand.u32 @!p1 $0x7FF0, s17;
	s18 =	sadd.s32 @!p1 s4, s16  }
0x1b: {  	s16 =	sadd.s32 @!p1 s16, s7;
	s15 =	sand.u32 @!p1 $0x4000, s15;
	s18 =	sadd.s32 @!p1 s17, s18  }
0x1c: {  	[tilespmem:s15], [sflag:$0x1] =	stream.strided.gather @!p1 [hbm4b:s18+s19], $0x2000, s20, s19, $0x38;
	[tilespmem:$0x10100] =	vst v63  }
0x1d: {  	s31 =	sadd.s32 $0xFFFFFFFF, s12;
	s16 =	sadd.s32 @!p1 s17, s16;
	s15 =	sor.u32 @!p1 $0x2000, s15  }
0x1e: {  	[tilespmem:s15], [sflag:$0x1] =	stream.strided.gather @!p1 [hbm4b:s16+s19], $0x2000, s20, s19, $0x38;
	[tilespmem:$0x10100] =	vst v63  }
0x1f: {  	p1 =	sge.u32 s31, s6  }
.Ltmp2:
0x20: {  	_ = 	snop;
	(pc) =	sbr.rel @p1 .LBB1_7-.Ltmp2, $1  }
0x21: {  	_ =	sdelay $0x3  }
0x22: {  	s15 =	simm.s32 $0x1;
	s17 =	sand.u32 $0x1, s12  }
0x23: {  	_ =	swait.ge [sflag:s5], $0x4000;
	s15 =	simm.s32 @!p0 $0x0;
	s17 =	smul.u32 $0x10200, s17  }
0x24: {  	p2 =	por $0x1, $0x1;
	[sflag:s5] =	ssyncset.done $0x0;
	s16 =	smul.u32 $0x10200, s15  }
0x25: {  	s18 =	sshll.u32 s15, $0x10;
	[sflag:s5] =	ssyncadd.s32 $0xFFFFC000;
	s30 =	sshrl.u32 s17, $0x2  }
0x26: {  	s31 =	sshrl.u32 s18, $0x2;
	s18 =	simm.s32 $0x0;
	s16 =	sshrl.u32 s16, $0x2  }
0x27: {  	s15 =	sor.u32 $0x8000, s30;
	s17 =	sadd.s32 $0x20, s31;
	s16 =	sor.u32 $0x8000, s16  }
.LBB1_3:
0x28: {  	s19 =	sshll.u32 s18, $0xD  }
0x29: {  	s19 =	sand.u32 $0x3FFFE000, s19  }
0x2a: {  	s21 =	sadd.s32 s19, s17  }
0x2b: {  	s31 =	smul.u32 $0x8100, s18;
	v3 =	vld [tilespmem:s21+$0x10]  }
0x2c: {  	v1 =	vld [tilespmem:s21+$0xFFFFFFF0]  }
0x2d: {  	s18 =	sshra.s32 s31, $0x2;
	v0 =	vld [tilespmem:s21+$0x0]  }
0x2e: {  	s18 =	sadd.s32 s18, s16;
	v2 =	vld [tilespmem:s21+$0xFFFFFFE0]  }
0x2f: {  	s19 =	sadd.s32 $0x0, s18  }
0x30: {  	p1 =	por p2, p2;
	s20 =	simm.s32 $0x4;
	s21 =	sadd.s32 $0x40, s21;
	[tilespmem:s19+$0x1830 ss:$0x81] =	vst.msk $0xffff, v3  }
.LBB1_4:
0x31: {  	v3 =	vld [tilespmem:s21+$0x10];
	p2 =	sne.s32 s20, $0x1FC;
	[tilespmem:s19+$0x810 ss:$0x81] =	vst.msk $0xffff, v1;
	s22 =	smov.u32 s20;
	s20 =	sadd.s32 $0x4, s20  }
.Ltmp3:
0x32: {  	v1 =	vld [tilespmem:s21+$0xFFFFFFF0];
	[tilespmem:s19+$0x1020 ss:$0x81] =	vst.msk $0xffff, v0;
	(pc) =	sbr.rel @p2 .LBB1_4-.Ltmp3, $4  }
0x33: {  	v0 =	vld [tilespmem:s21+$0x0];
	[tilespmem:s19+$0x0 ss:$0x81] =	vst.msk $0xffff, v2  }
0x34: {  	s19 =	sshra.s32 s22, $0x2;
	v2 =	vld [tilespmem:s21+$0xFFFFFFE0]  }
0x35: {  	s19 =	sadd.s32 s19, s18  }
0x36: {  	s21 =	sadd.s32 $0x40, s21;
	[tilespmem:s19+$0x1830 ss:$0x81] =	vst.msk $0xffff, v3  }
.Ltmp4:
0x37: {  	(pc) =	sbr.rel @p1 .LBB1_3-.Ltmp4, $4  }
0x38: {  	_ = 	snop  }
0x39: {  	[tilespmem:s19+$0x810 ss:$0x81] =	vst.msk $0xffff, v1  }
0x3a: {  	[tilespmem:s19+$0x1020 ss:$0x81] =	vst.msk $0xffff, v0  }
0x3b: {  	s18 =	simm.s32 $0x1;
	p2 =	por $0x0, $0x0;
	[tilespmem:s19+$0x0 ss:$0x81] =	vst.msk $0xffff, v2  }
0x3c: {  	s16 =	sshll.u32 s13, $0x3;
	s17 =	sand.u32 $0x78, s13;
	s14 =	sshll.u32 s14, $0xE  }
.Ltmp5:
0x3d: {  	s30 =	sand.u32 $0x3F00, s13;
	s16 =	sand.u32 $0x400, s16;
	(pc) =	sbr.rel .LBB1_7-.Ltmp5, $4  }
0x3e: {  	s31 =	sand.u32 $0x7, s13;
	s14 =	sadd.s32 s3, s14;
	s16 =	sor.u32 s17, s16  }
0x3f: {  	s13 =	sshll.u32 s31, $0x12;
	s14 =	sadd.s32 s30, s14;
	s16 =	sshrl.u32 s16, $0x3  }
0x40: {  	s13 =	sor.u32 $0x400, s13;
	s14 =	sadd.s32 s16, s14  }
0x41: {  	[hbm4b:s14+s13] =	stream.strided.scatter [tilespmem:s15], [sflag:$0x2], $0x4000, s9, s13, $0x20;
	[tilespmem:$0x10100] =	vst v63  }
.LBB1_8:
0x42: {  	_ =	sfence.sel $0x180000  }
0x43: {  	s2 =	simm.s32 $0x1;
	[bflag:$0x0] =	sbarrier.arrive $0xFFFF  }
0x44: {  	s31 =	simm.s32 $0x2;
	[sflag:s2] =	ssyncpa.u1 $0x1  }
0x45: {  	[sflag:s31] =	ssyncpa.u1 $0x1  }
0x46: {  	p0 =	sne.s32 s0, $0x0;
	_ =	strace $0x9000004A  }
0x47: {  	s0 =	sadd.s32 @!p0 $0x100000, s1;
	[bflag:$0x2] =	sbarrier.arrive $0xFFFF  }
0x48: {  	[sflag:s0] =	ssyncadd.tile.s32 @!p0 $0x1;
	_ =	shalt  }
.Lfunc_end1:
_tile_overlayer_lowered:
.L_overlay_start_2:
0x49: {  	(tag) =	ssettag $0x2  }
0x4a: {  	s0 =	rddreg [dreg:$0x0];
	s2 =	stileid.u32  }
0x4b: {  	s1 =	rddreg [dreg:$0x1];
	p0 =	sne.s32 s2, $0x0  }
0x4c: {  	s3 =	rddreg [dreg:$0x2];
	[bflag:$0x3] =	sbarrier.arrive $0xFFFF;
	s2 =	simm.s32 @!p0 $0x1C01  }
0x4d: {  	[timem:s3], [sflag:s2] =	dma.local @!p0 [hbm:s0], s1  }
0x4e: {  	s0 =	simm.s32 @!p0 $0x1  }
0x4f: {  	_ =	swait.ge @!p0 [sflag:s0], s1  }
0x50: {  	s1 =	ssub.s32 @!p0 $0x0, s1;
	[sflag:s0] =	ssyncset.done @!p0 $0x0  }
0x51: {  	[sflag:s0] =	ssyncadd.s32 @!p0 s1  }
0x52: {  	[bflag:$0x3] =	sbarrier.arrive $0xFFFF  }
0x53: {  	_ =	shalt  }

</sc_bundles>
